<compile_context>
chip_gen: v7x
topology: tpu7x:2x2x1
jax: 0.10.2.dev20260603
libtpu: 0.0.44.dev20260713+nightly
codegen_flags: <defaults>
</compile_context>

<pallas_src>
import functools

import jax
import jax.numpy as jnp
from jax import lax
from jax.experimental import pallas as pl
from jax.experimental.pallas import tpu as pltpu
from jax.experimental.pallas import tpu_sc as plsc

_B = 4096
_BB = 128
_NW = 32
_CHUNK = _B // _NW

_F32 = jnp.float32
_BF16 = jnp.bfloat16



def _sc_gather(idx_all, idx_ud, tab_all, tab_ud):
    mesh = plsc.VectorSubcoreMesh(core_axis_name="c", subcore_axis_name="s")

    @functools.partial(
        pl.kernel,
        mesh=mesh,
        out_type=(jax.ShapeDtypeStruct((_B * 13, 128), _F32),
                  jax.ShapeDtypeStruct((_B, 128), _F32)),
        scratch_types=[
            pltpu.VMEM((13 * _CHUNK,), jnp.int32),
            pltpu.VMEM((_CHUNK,), jnp.int32),
            pltpu.VMEM((_CHUNK, 128), _F32),
            pltpu.VMEM((_CHUNK, 128), _F32),
            pltpu.VMEM((_CHUNK, 128), _F32),
            pltpu.VMEM((_CHUNK, 128), _F32),
            pltpu.SemaphoreType.DMA,
            pltpu.SemaphoreType.DMA,
            pltpu.SemaphoreType.DMA,
            pltpu.SemaphoreType.DMA,
        ],
    )
    def k(idx_all_ref, idx_ud_ref, tab_all_ref, tab_ud_ref, out_ref,
          out_ud_ref, idx_v, idx_ud_v, b0, b1, b2, b3, s0, s1, s2, s3):
        wid = lax.axis_index("s") * 2 + lax.axis_index("c")
        base = wid * (13 * _CHUNK)
        ud_base = wid * _CHUNK
        pltpu.sync_copy(idx_all_ref.at[pl.ds(base, 13 * _CHUNK)], idx_v)
        pltpu.sync_copy(idx_ud_ref.at[pl.ds(ud_base, _CHUNK)], idx_ud_v)
        bufs = (b0, b1, b2, b3)
        sems = (s0, s1, s2, s3)
        cps = [None] * 14

        def fire(j):
            if j < 13:
                cps[j] = pltpu.async_copy(
                    tab_all_ref.at[idx_v.at[pl.ds(_CHUNK * j, _CHUNK)]],
                    bufs[j % 4], sems[j % 4])
            else:
                cps[j] = pltpu.async_copy(tab_ud_ref.at[idx_ud_v],
                                          bufs[j % 4], sems[j % 4])

        def drain(j):
            cps[j].wait()
            if j < 13:
                pltpu.sync_copy(bufs[j % 4],
                                out_ref.at[pl.ds(base + _CHUNK * j, _CHUNK), :])
            else:
                pltpu.sync_copy(bufs[j % 4],
                                out_ud_ref.at[pl.ds(ud_base, _CHUNK), :])

        for j in range(4):
            fire(j)
        for j in range(4, 14):
            drain(j - 4)
            fire(j)
        for j in range(10, 14):
            drain(j)

    return k(idx_all, idx_ud, tab_all, tab_ud)


_TAB_SIZES = (100, 5000, 50, 10000, 10000, 100, 3, 10, 35, 400, 6, 50, 200)


def _prep_body(*refs):
    tab_refs = refs[0:13]
    ud_ref = refs[13]
    out_ref = refs[14]
    out_ud_ref = refs[15]
    off = 0
    for t_ref, v in zip(tab_refs, _TAB_SIZES):
        out_ref[pl.ds(off, v), :] = jnp.concatenate(
            [t_ref[...], jnp.zeros((v, 118), _F32)], axis=1)
        off += v
    out_ud_ref[...] = jnp.concatenate(
        [ud_ref[...], jnp.zeros((5000, 28), _F32)], axis=1)


def _prep_tables(tabs, emb_use_days):
    def full(a):
        nd = a.ndim
        return pl.BlockSpec(a.shape, lambda _n=nd: (0,) * _n)

    return pl.pallas_call(
        _prep_body,
        in_specs=[full(t) for t in tabs] + [full(emb_use_days)],
        out_specs=(pl.BlockSpec((25954, 128), lambda: (0, 0)),
                   pl.BlockSpec((5000, 128), lambda: (0, 0))),
        out_shape=(jax.ShapeDtypeStruct((25954, 128), _F32),
                   jax.ShapeDtypeStruct((5000, 128), _F32)),
    )(*tabs, emb_use_days)



def _tc_body(vat_ref, x2_ref, cat_ref, ud_ref, kcat_ref, appb_ref, wvb_ref,
             vbB_ref, pW1_ref, pb1_ref, pW2_ref, pb2_ref, uW1c_ref,
             uW1ud_ref, uWa_ref, uWv_ref, ub1_ref, uW2_ref, ub2_ref,
             rW1_ref, rb1_ref, rW2_ref, rb2_ref, out_ref):
    _up = lambda a, t: pltpu.roll(a, a.shape[0] - t, 0)

    x = x2_ref[...].reshape(_BB * 30, 609)
    P = jnp.dot(x.astype(_BF16), kcat_ref[...],
                preferred_element_type=_F32)
    y = (P[:, 0:32] + _up(P, 1)[:, 32:64] + _up(P, 2)[:, 64:96]
         + appb_ref[...])

    vat = vat_ref[...]
    oh = jnp.concatenate(
        [jnp.where(vat == c, 1.0, 0.0) for c in range(3)],
        axis=1).astype(_BF16)
    yvB = jnp.dot(oh, wvb_ref[...],
                  preferred_element_type=_F32) + vbB_ref[...]
    yvB = jnp.maximum(yvB, 0.0)
    vit = jnp.maximum(yvB[:, 0:864], yvB[:, 32:896]).astype(_BF16)

    ya3 = jnp.maximum(y, 0.0).reshape(_BB, 30, 32)
    za3 = jnp.maximum(ya3[:, 0:29, :], ya3[:, 1:30, :])
    app = za3.reshape(_BB, 928).astype(_BF16)

    cat = cat_ref[...].astype(_BF16)
    u1 = (jnp.dot(cat, uW1c_ref[...], preferred_element_type=_F32)
          + jnp.dot(ud_ref[...].astype(_BF16), uW1ud_ref[...],
                    preferred_element_type=_F32)
          + jnp.dot(app, uWa_ref[...], preferred_element_type=_F32)
          + jnp.dot(vit, uWv_ref[...], preferred_element_type=_F32)
          + ub1_ref[...])
    u1 = jnp.maximum(u1, 0.0)
    ue = jnp.maximum(
        jnp.dot(u1, uW2_ref[...], preferred_element_type=_F32) + ub2_ref[...],
        0.0)
    p1 = jnp.maximum(
        jnp.dot(cat, pW1_ref[...], preferred_element_type=_F32) + pb1_ref[...],
        0.0)
    pe = jnp.maximum(
        jnp.dot(p1, pW2_ref[...], preferred_element_type=_F32) + pb2_ref[...],
        0.0)
    h = jnp.concatenate([ue, pe], axis=1)
    r1 = jnp.maximum(
        jnp.dot(h, rW1_ref[...], preferred_element_type=_F32) + rb1_ref[...],
        0.0)
    o = jnp.dot(r1, rW2_ref[...], preferred_element_type=_F32) + rb2_ref[...]
    out_ref[...] = jax.nn.sigmoid(o)


def _tc_towers(vat, x2, cat, ud, kcat, appb, wvb, vbB, pW1, pb1, pW2, pb2,
               uW1c, uW1ud, uWa, uWv, ub1, uW2, ub2, rW1, rb1, rW2, rb2):
    def full(a):
        nd = a.ndim
        return pl.BlockSpec(a.shape, lambda i, _n=nd: (0,) * _n)

    weights = (kcat, appb, wvb, vbB, pW1, pb1, pW2, pb2,
               uW1c, uW1ud, uWa, uWv, ub1, uW2, ub2, rW1, rb1, rW2, rb2)
    return pl.pallas_call(
        _tc_body,
        grid=(_B // _BB,),
        in_specs=[
            pl.BlockSpec((_BB, 30), lambda i: (i, 0)),
            pl.BlockSpec((_BB, 30, 609), lambda i: (i, 0, 0)),
            pl.BlockSpec((_BB, 13 * 128), lambda i: (i, 0)),
            pl.BlockSpec((_BB, 128), lambda i: (i, 0)),
        ] + [full(w) for w in weights],
        out_specs=pl.BlockSpec((_BB, 1), lambda i: (i, 0)),
        out_shape=jax.ShapeDtypeStruct((_B, 1), _F32),
    )(vat, x2, cat, ud, *weights)



def kernel(brand, modelname, version, phone_log_model, phone_raw_model,
           total_use_days, user_age, user_sex, user_degree, resident_province,
           resident_city, resident_city_type, sale_channel_1, sale_channel_2,
           vatality, all_app, emb_brand, emb_model, emb_version, emb_phone_log,
           emb_phone_raw, phone_W1, phone_b1, phone_W2, phone_b2, emb_age,
           emb_sex, emb_degree, emb_province, emb_city, emb_city_type, emb_ch1,
           emb_ch2, emb_use_days, emb_vitality, conv_vit_k, conv_vit_b,
           conv_app_k, conv_app_b, user_W1, user_b1, user_W2, user_b2,
           rate_W1, rate_b1, rate_W2, rate_b2):
    idx_feats = (brand, modelname, version, phone_log_model, phone_raw_model,
                 user_age, user_sex, user_degree, resident_province,
                 resident_city, resident_city_type, sale_channel_1,
                 sale_channel_2)
    tabs = (emb_brand, emb_model, emb_version, emb_phone_log, emb_phone_raw,
            emb_age, emb_sex, emb_degree, emb_province, emb_city,
            emb_city_type, emb_ch1, emb_ch2)
    tab_all, tab_ud = _prep_tables(tabs, emb_use_days)
    offs, acc = [], 0
    for t in tabs:
        offs.append(acc)
        acc += t.shape[0]
    idx_all = jnp.stack(
        [a.reshape(-1).astype(jnp.int32) + o for a, o in zip(idx_feats, offs)],
        axis=1).reshape(-1)
    idx_ud = total_use_days.reshape(-1).astype(jnp.int32)
    out_all, ud = _sc_gather(idx_all, idx_ud, tab_all, tab_ud)
    cat = out_all.reshape(_B, 13 * 128)

    z128 = jnp.zeros((128, 128), _F32)
    z118 = jnp.zeros((118, 128), _F32)
    pw, uw = [], []
    for f in range(5):
        pw += [phone_W1[10 * f:10 * f + 10], z118]
        uw.append(z128)
    for g in range(8):
        pw.append(z128)
        uw += [user_W1[10 * g:10 * g + 10], z118]
    pW1 = jnp.concatenate(pw, axis=0).astype(_BF16)
    uW1c = jnp.concatenate(uw, axis=0).astype(_BF16)
    uW1ud = jnp.concatenate([user_W1[80:180], jnp.zeros((28, 128), _F32)],
                            axis=0).astype(_BF16)
    uWa = jnp.pad(user_W1[180:1044].reshape(27, 32, 128),
                  ((0, 2), (0, 0), (0, 0))).reshape(928, 128).astype(_BF16)
    uWv = user_W1[1044:1908].astype(_BF16)
    M = jnp.einsum('cd,tdo->tco', emb_vitality, conv_vit_k)
    wvb = sum(jnp.einsum('ab,co->cabo', jnp.eye(30, 28, k=-t, dtype=_F32),
                         M[t]) for t in range(3))
    wvb = wvb.reshape(90, 896).astype(_BF16)
    vbB = jnp.tile(conv_vit_b, (28,)).reshape(1, 896)
    kcat = jnp.concatenate([conv_app_k[0], conv_app_k[1], conv_app_k[2]],
                           axis=1).astype(_BF16)

    return _tc_towers(
        vatality.astype(jnp.int32), all_app, cat, ud,
        kcat, conv_app_b.reshape(1, 32).astype(_BF16), wvb, vbB,
        pW1, phone_b1.reshape(1, 128), phone_W2, phone_b2.reshape(1, 32),
        uW1c, uW1ud, uWa, uWv, user_b1.reshape(1, 128), user_W2,
        user_b2.reshape(1, 32),
        rate_W1, rate_b1.reshape(1, 64), rate_W2, rate_b2.reshape(1, 1))

# --- scband reference (transcript-rebuilt; emitter-appended) ---
"""Pipeline reference for scband-ranking-model-26749056320131 (READ-ONLY COPY).

The authoritative reference and input builder live on the scoring server;
editing this copy changes nothing except your own understanding.
"""

import jax, jax.numpy as jnp
import numpy as np

B = 4096

def _conv1d_relu(x, k, b):
    out = jax.lax.conv_general_dilated(x, k, window_strides=(1,), padding='VALID', dimension_numbers=('NWC', 'WIO', 'NWC'))
    return jax.nn.relu(out + b)

def _maxpool1d(x):
    return jnp.maximum(x[:, :-1, :], x[:, 1:, :])

def _forward(ints, floats):
    (brand, modelname, version, phone_log_model, phone_raw_model,
     total_use_days, user_age, user_sex, user_degree, resident_province,
     resident_city, resident_city_type, sale_channel_1, sale_channel_2, vatality) = ints
    (all_app, emb_brand, emb_model, emb_version, emb_phone_log, emb_phone_raw,
     phone_W1, phone_b1, phone_W2, phone_b2,
     emb_age, emb_sex, emb_degree, emb_province, emb_city, emb_city_type,
     emb_ch1, emb_ch2, emb_use_days, emb_vitality,
     conv_vit_k, conv_vit_b, conv_app_k, conv_app_b,
     user_W1, user_b1, user_W2, user_b2,
     rate_W1, rate_b1, rate_W2, rate_b2) = floats
    # phone tower
    pctx = jnp.concatenate([
        emb_brand[brand[:, 0]], emb_model[modelname[:, 0]], emb_version[version[:, 0]],
        emb_phone_log[phone_log_model[:, 0]], emb_phone_raw[phone_raw_model[:, 0]]], axis=1)
    p = jax.nn.relu(pctx @ phone_W1 + phone_b1)
    phone_emb = jax.nn.relu(p @ phone_W2 + phone_b2)
    # user tower
    vit = emb_vitality[vatality]  # [B, 30, 10]
    vit = _maxpool1d(_conv1d_relu(vit, conv_vit_k, conv_vit_b)).reshape(vatality.shape[0], -1)
    app = _maxpool1d(_conv1d_relu(all_app, conv_app_k, conv_app_b)).reshape(all_app.shape[0], -1)
    uctx = jnp.concatenate([
        emb_age[user_age[:, 0]], emb_sex[user_sex[:, 0]], emb_degree[user_degree[:, 0]],
        emb_province[resident_province[:, 0]], emb_city[resident_city[:, 0]],
        emb_city_type[resident_city_type[:, 0]], emb_ch1[sale_channel_1[:, 0]],
        emb_ch2[sale_channel_2[:, 0]], emb_use_days[total_use_days[:, 0]],
        app, vit], axis=1)
    u = jax.nn.relu(uctx @ user_W1 + user_b1)
    user_emb = jax.nn.relu(u @ user_W2 + user_b2)
    # ratings head
    h = jnp.concatenate([user_emb, phone_emb], axis=1)
    h = jax.nn.relu(h @ rate_W1 + rate_b1)
    return jax.nn.sigmoid(h @ rate_W2 + rate_b2)


def setup_inputs(seed: int = 0):
    key = jax.random.key(seed)
    ks = jax.random.split(key, 64)
    def ri(i, shape, hi):
        return jax.random.randint(ks[i], shape, 0, hi)
    def rn(i, shape, s=0.02):
        return jax.random.normal(ks[i], shape, dtype=jnp.float32) * s
    inp = {}
    inp['brand'] = ri(0, (B, 1), 100)
    inp['modelname'] = ri(1, (B, 1), 5000)
    inp['version'] = ri(2, (B, 1), 50)
    inp['phone_log_model'] = ri(3, (B, 1), 10000)
    inp['phone_raw_model'] = ri(4, (B, 1), 10000)
    inp['total_use_days'] = ri(5, (B, 1), 5000)
    inp['user_age'] = ri(6, (B, 1), 100)
    inp['user_sex'] = ri(7, (B, 1), 3)
    inp['user_degree'] = ri(8, (B, 1), 10)
    inp['resident_province'] = ri(9, (B, 1), 35)
    inp['resident_city'] = ri(10, (B, 1), 400)
    inp['resident_city_type'] = ri(11, (B, 1), 6)
    inp['sale_channel_1'] = ri(12, (B, 1), 50)
    inp['sale_channel_2'] = ri(13, (B, 1), 200)
    inp['vatality'] = ri(14, (B, 30), 3)
    inp['all_app'] = rn(15, (B, 30, 609), 1.0)
    inp['emb_brand'] = rn(16, (100, 10))
    inp['emb_model'] = rn(17, (5000, 10))
    inp['emb_version'] = rn(18, (50, 10))
    inp['emb_phone_log'] = rn(19, (10000, 10))
    inp['emb_phone_raw'] = rn(20, (10000, 10))
    inp['phone_W1'] = rn(21, (50, 128))
    inp['phone_b1'] = rn(22, (128,))
    inp['phone_W2'] = rn(23, (128, 32))
    inp['phone_b2'] = rn(24, (32,))
    inp['emb_age'] = rn(25, (100, 10))
    inp['emb_sex'] = rn(26, (3, 10))
    inp['emb_degree'] = rn(27, (10, 10))
    inp['emb_province'] = rn(28, (35, 10))
    inp['emb_city'] = rn(29, (400, 10))
    inp['emb_city_type'] = rn(30, (6, 10))
    inp['emb_ch1'] = rn(31, (50, 10))
    inp['emb_ch2'] = rn(32, (200, 10))
    inp['emb_use_days'] = rn(33, (5000, 100))
    inp['emb_vitality'] = rn(34, (3, 10))
    inp['conv_vit_k'] = rn(35, (3, 10, 32))
    inp['conv_vit_b'] = rn(36, (32,))
    inp['conv_app_k'] = rn(37, (3, 609, 32))
    inp['conv_app_b'] = rn(38, (32,))
    inp['user_W1'] = rn(39, (1908, 128))
    inp['user_b1'] = rn(40, (128,))
    inp['user_W2'] = rn(41, (128, 32))
    inp['user_b2'] = rn(42, (32,))
    inp['rate_W1'] = rn(43, (64, 64))
    inp['rate_b1'] = rn(44, (64,))
    inp['rate_W2'] = rn(45, (64, 1))
    inp['rate_b2'] = rn(46, (1,))
    return inp


def reference(brand, modelname, version, phone_log_model, phone_raw_model,
              total_use_days, user_age, user_sex, user_degree, resident_province,
              resident_city, resident_city_type, sale_channel_1, sale_channel_2, vatality,
              all_app, emb_brand, emb_model, emb_version, emb_phone_log, emb_phone_raw,
              phone_W1, phone_b1, phone_W2, phone_b2,
              emb_age, emb_sex, emb_degree, emb_province, emb_city, emb_city_type,
              emb_ch1, emb_ch2, emb_use_days, emb_vitality,
              conv_vit_k, conv_vit_b, conv_app_k, conv_app_b,
              user_W1, user_b1, user_W2, user_b2,
              rate_W1, rate_b1, rate_W2, rate_b2):
    ints = (brand, modelname, version, phone_log_model, phone_raw_model,
            total_use_days, user_age, user_sex, user_degree, resident_province,
            resident_city, resident_city_type, sale_channel_1, sale_channel_2, vatality)
    floats = (all_app, emb_brand, emb_model, emb_version, emb_phone_log, emb_phone_raw,
              phone_W1, phone_b1, phone_W2, phone_b2,
              emb_age, emb_sex, emb_degree, emb_province, emb_city, emb_city_type,
              emb_ch1, emb_ch2, emb_use_days, emb_vitality,
              conv_vit_k, conv_vit_b, conv_app_k, conv_app_b,
              user_W1, user_b1, user_W2, user_b2,
              rate_W1, rate_b1, rate_W2, rate_b2)
    return _forward(ints, floats)

if __name__ == "__main__":
    import jax
    _d = setup_inputs()
    print(jax.jit(kernel)(*tuple(_d.values())))

</pallas_src>

<mosaic_0001>
#map = affine_map<(d0, d1) -> (0)>
#map1 = affine_map<(d0, d1) -> (0, 0)>
module attributes {stable_mosaic.version = 14 : i64} {
  func.func @k(%arg0: i32, %arg1: i32, %arg2: memref<53248xi32, #tpu.memory_space<hbm>>, %arg3: memref<4096xi32, #tpu.memory_space<hbm>>, %arg4: memref<25954x128xf32, #tpu.memory_space<hbm>>, %arg5: memref<5000x128xf32, #tpu.memory_space<hbm>>, %arg6: memref<53248x128xf32, #tpu.memory_space<hbm>>, %arg7: memref<4096x128xf32, #tpu.memory_space<hbm>>, %arg8: memref<1664xi32, #tpu.memory_space<vmem>>, %arg9: memref<128xi32, #tpu.memory_space<vmem>>, %arg10: memref<128x128xf32, #tpu.memory_space<vmem>>, %arg11: memref<128x128xf32, #tpu.memory_space<vmem>>, %arg12: memref<128x128xf32, #tpu.memory_space<vmem>>, %arg13: memref<128x128xf32, #tpu.memory_space<vmem>>, %arg14: memref<!tpu.dma_semaphore, #tpu.memory_space<semaphore_mem>>, %arg15: memref<!tpu.dma_semaphore, #tpu.memory_space<semaphore_mem>>, %arg16: memref<!tpu.dma_semaphore, #tpu.memory_space<semaphore_mem>>, %arg17: memref<!tpu.dma_semaphore, #tpu.memory_space<semaphore_mem>>) attributes {dimension_semantics = [#tpu.dimension_semantics<core_parallel>, #tpu.dimension_semantics<subcore_parallel>], iteration_bounds = array<i64: 2, 16>, scalar_prefetch = 0 : i64, scratch_operands = 10 : i64, tpu.core_type = #tpu.core_type<sc_vector_subcore>, window_params = [{transform_indices = #map}, {transform_indices = #map}, {transform_indices = #map1}, {transform_indices = #map1}, {transform_indices = #map1}, {transform_indices = #map1}]} {
    %mul3A = arith.constant 2 : i32
    %mul3A_0 = arith.muli %arg1, %mul3A : i32
    %add3A = arith.addi %mul3A_0, %arg0 : i32
    %mul3A_1 = arith.constant 1664 : i32
    %mul3A_2 = arith.muli %add3A, %mul3A_1 : i32
    %mul3A_3 = arith.constant 128 : i32
    %mul3A_4 = arith.muli %add3A, %mul3A_3 : i32
    "tpu.region"() ({
      %run_scoped3A = tpu.sem_alloc : memref<!tpu.dma_semaphore, #tpu.memory_space<semaphore_mem>>
      %dma_start3A_165 = tpu.memref_slice %arg2[%mul3A_2] : memref<53248xi32, #tpu.memory_space<hbm>> -> memref<1664xi32, #tpu.memory_space<hbm>>
      %dma_start3A_166 = tpu.memref_slice %arg2[%mul3A_2] : memref<53248xi32, #tpu.memory_space<hbm>> -> memref<1664xi32, #tpu.memory_space<hbm>>
      tpu.enqueue_dma source(%dma_start3A_166 : memref<1664xi32, #tpu.memory_space<hbm>>) target(%arg8 : memref<1664xi32, #tpu.memory_space<vmem>>) target_semaphore(%run_scoped3A : memref<!tpu.dma_semaphore, #tpu.memory_space<semaphore_mem>>)
      %dma_wait3A_167 = tpu.memref_slice %arg2[%mul3A_2] : memref<53248xi32, #tpu.memory_space<hbm>> -> memref<1664xi32, #tpu.memory_space<hbm>>
      %dma_wait3A_168 = tpu.memref_slice %arg2[%mul3A_2] : memref<53248xi32, #tpu.memory_space<hbm>> -> memref<1664xi32, #tpu.memory_space<hbm>>
      tpu.wait_dma2 semaphore(%run_scoped3A : memref<!tpu.dma_semaphore, #tpu.memory_space<semaphore_mem>>) src(%dma_wait3A_168 : memref<1664xi32, #tpu.memory_space<hbm>>) dst(%arg8 : memref<1664xi32, #tpu.memory_space<vmem>>)
      tpu.yield
    }) : () -> ()
    "tpu.region"() ({
      %run_scoped3A = tpu.sem_alloc : memref<!tpu.dma_semaphore, #tpu.memory_space<semaphore_mem>>
      %dma_start3A_165 = tpu.memref_slice %arg3[%mul3A_4] : memref<4096xi32, #tpu.memory_space<hbm>> -> memref<128xi32, #tpu.memory_space<hbm>>
      %dma_start3A_166 = tpu.memref_slice %arg3[%mul3A_4] : memref<4096xi32, #tpu.memory_space<hbm>> -> memref<128xi32, #tpu.memory_space<hbm>>
      tpu.enqueue_dma source(%dma_start3A_166 : memref<128xi32, #tpu.memory_space<hbm>>) target(%arg9 : memref<128xi32, #tpu.memory_space<vmem>>) target_semaphore(%run_scoped3A : memref<!tpu.dma_semaphore, #tpu.memory_space<semaphore_mem>>)
      %dma_wait3A_167 = tpu.memref_slice %arg3[%mul3A_4] : memref<4096xi32, #tpu.memory_space<hbm>> -> memref<128xi32, #tpu.memory_space<hbm>>
      %dma_wait3A_168 = tpu.memref_slice %arg3[%mul3A_4] : memref<4096xi32, #tpu.memory_space<hbm>> -> memref<128xi32, #tpu.memory_space<hbm>>
      tpu.wait_dma2 semaphore(%run_scoped3A : memref<!tpu.dma_semaphore, #tpu.memory_space<semaphore_mem>>) src(%dma_wait3A_168 : memref<128xi32, #tpu.memory_space<hbm>>) dst(%arg9 : memref<128xi32, #tpu.memory_space<vmem>>)
      tpu.yield
    }) : () -> ()
    %dma_start3A = arith.constant 0 : i32
    %dma_start3A_5 = tpu.memref_slice %arg8[%dma_start3A] : memref<1664xi32, #tpu.memory_space<vmem>> -> memref<128xi32, #tpu.memory_space<vmem>>
    %dma_start3A_6 = arith.constant 0 : i32
    %dma_start3A_7 = arith.constant 0 : i32
    %dma_start3A_8 = tpu.memref_slice %arg4[%dma_start3A_6, %dma_start3A_7] : memref<25954x128xf32, #tpu.memory_space<hbm>> -> memref<25954x128xf32, #tpu.memory_space<hbm>>
    tpu.enqueue_indirect_dma source(%dma_start3A_8 : memref<25954x128xf32, #tpu.memory_space<hbm>>) target(%arg10 : memref<128x128xf32, #tpu.memory_space<vmem>>) offsets(%dma_start3A_5 : memref<128xi32, #tpu.memory_space<vmem>>) semaphore(%arg14 : memref<!tpu.dma_semaphore, #tpu.memory_space<semaphore_mem>>)
    %dma_start3A_9 = arith.constant 128 : i32
    %dma_start3A_10 = tpu.memref_slice %arg8[%dma_start3A_9] : memref<1664xi32, #tpu.memory_space<vmem>> -> memref<128xi32, #tpu.memory_space<vmem>>
    %dma_start3A_11 = arith.constant 0 : i32
    %dma_start3A_12 = arith.constant 0 : i32
    %dma_start3A_13 = tpu.memref_slice %arg4[%dma_start3A_11, %dma_start3A_12] : memref<25954x128xf32, #tpu.memory_space<hbm>> -> memref<25954x128xf32, #tpu.memory_space<hbm>>
    tpu.enqueue_indirect_dma source(%dma_start3A_13 : memref<25954x128xf32, #tpu.memory_space<hbm>>) target(%arg11 : memref<128x128xf32, #tpu.memory_space<vmem>>) offsets(%dma_start3A_10 : memref<128xi32, #tpu.memory_space<vmem>>) semaphore(%arg15 : memref<!tpu.dma_semaphore, #tpu.memory_space<semaphore_mem>>)
    %dma_start3A_14 = arith.constant 256 : i32
    %dma_start3A_15 = tpu.memref_slice %arg8[%dma_start3A_14] : memref<1664xi32, #tpu.memory_space<vmem>> -> memref<128xi32, #tpu.memory_space<vmem>>
    %dma_start3A_16 = arith.constant 0 : i32
    %dma_start3A_17 = arith.constant 0 : i32
    %dma_start3A_18 = tpu.memref_slice %arg4[%dma_start3A_16, %dma_start3A_17] : memref<25954x128xf32, #tpu.memory_space<hbm>> -> memref<25954x128xf32, #tpu.memory_space<hbm>>
    tpu.enqueue_indirect_dma source(%dma_start3A_18 : memref<25954x128xf32, #tpu.memory_space<hbm>>) target(%arg12 : memref<128x128xf32, #tpu.memory_space<vmem>>) offsets(%dma_start3A_15 : memref<128xi32, #tpu.memory_space<vmem>>) semaphore(%arg16 : memref<!tpu.dma_semaphore, #tpu.memory_space<semaphore_mem>>)
    %dma_start3A_19 = arith.constant 384 : i32
    %dma_start3A_20 = tpu.memref_slice %arg8[%dma_start3A_19] : memref<1664xi32, #tpu.memory_space<vmem>> -> memref<128xi32, #tpu.memory_space<vmem>>
    %dma_start3A_21 = arith.constant 0 : i32
    %dma_start3A_22 = arith.constant 0 : i32
    %dma_start3A_23 = tpu.memref_slice %arg4[%dma_start3A_21, %dma_start3A_22] : memref<25954x128xf32, #tpu.memory_space<hbm>> -> memref<25954x128xf32, #tpu.memory_space<hbm>>
    tpu.enqueue_indirect_dma source(%dma_start3A_23 : memref<25954x128xf32, #tpu.memory_space<hbm>>) target(%arg13 : memref<128x128xf32, #tpu.memory_space<vmem>>) offsets(%dma_start3A_20 : memref<128xi32, #tpu.memory_space<vmem>>) semaphore(%arg17 : memref<!tpu.dma_semaphore, #tpu.memory_space<semaphore_mem>>)
    %dma_wait3A = arith.constant 0 : i32
    %dma_wait3A_24 = tpu.memref_slice %arg8[%dma_wait3A] : memref<1664xi32, #tpu.memory_space<vmem>> -> memref<128xi32, #tpu.memory_space<vmem>>
    %dma_wait3A_25 = arith.constant 0 : i32
    %dma_wait3A_26 = arith.constant 0 : i32
    %dma_wait3A_27 = tpu.memref_slice %arg4[%dma_wait3A_25, %dma_wait3A_26] : memref<25954x128xf32, #tpu.memory_space<hbm>> -> memref<25954x128xf32, #tpu.memory_space<hbm>>
    tpu.wait_indirect_dma semaphore(%arg14 : memref<!tpu.dma_semaphore, #tpu.memory_space<semaphore_mem>>) src(%dma_wait3A_27 : memref<25954x128xf32, #tpu.memory_space<hbm>>) dst(%arg10 : memref<128x128xf32, #tpu.memory_space<vmem>>)
    %add3A_28 = arith.constant 0 : i32
    %add3A_29 = arith.addi %mul3A_2, %add3A_28 : i32
    "tpu.region"() ({
      %run_scoped3A = tpu.sem_alloc : memref<!tpu.dma_semaphore, #tpu.memory_space<semaphore_mem>>
      %dma_start3A_165 = arith.constant 0 : i32
      %dma_start3A_166 = tpu.memref_slice %arg6[%add3A_29, %dma_start3A_165] : memref<53248x128xf32, #tpu.memory_space<hbm>> -> memref<128x128xf32, #tpu.memory_space<hbm>>
      %dma_start3A_167 = arith.constant 0 : i32
      %dma_start3A_168 = tpu.memref_slice %arg6[%add3A_29, %dma_start3A_167] : memref<53248x128xf32, #tpu.memory_space<hbm>> -> memref<128x128xf32, #tpu.memory_space<hbm>>
      tpu.enqueue_dma source(%arg10 : memref<128x128xf32, #tpu.memory_space<vmem>>) target(%dma_start3A_168 : memref<128x128xf32, #tpu.memory_space<hbm>>) target_semaphore(%run_scoped3A : memref<!tpu.dma_semaphore, #tpu.memory_space<semaphore_mem>>)
      %dma_wait3A_169 = arith.constant 0 : i32
      %dma_wait3A_170 = tpu.memref_slice %arg6[%add3A_29, %dma_wait3A_169] : memref<53248x128xf32, #tpu.memory_space<hbm>> -> memref<128x128xf32, #tpu.memory_space<hbm>>
      %dma_wait3A_171 = arith.constant 0 : i32
      %dma_wait3A_172 = tpu.memref_slice %arg6[%add3A_29, %dma_wait3A_171] : memref<53248x128xf32, #tpu.memory_space<hbm>> -> memref<128x128xf32, #tpu.memory_space<hbm>>
      tpu.wait_dma2 semaphore(%run_scoped3A : memref<!tpu.dma_semaphore, #tpu.memory_space<semaphore_mem>>) src(%arg10 : memref<128x128xf32, #tpu.memory_space<vmem>>) dst(%dma_wait3A_172 : memref<128x128xf32, #tpu.memory_space<hbm>>)
      tpu.yield
    }) : () -> ()
    %dma_start3A_30 = arith.constant 512 : i32
    %dma_start3A_31 = tpu.memref_slice %arg8[%dma_start3A_30] : memref<1664xi32, #tpu.memory_space<vmem>> -> memref<128xi32, #tpu.memory_space<vmem>>
    %dma_start3A_32 = arith.constant 0 : i32
    %dma_start3A_33 = arith.constant 0 : i32
    %dma_start3A_34 = tpu.memref_slice %arg4[%dma_start3A_32, %dma_start3A_33] : memref<25954x128xf32, #tpu.memory_space<hbm>> -> memref<25954x128xf32, #tpu.memory_space<hbm>>
    tpu.enqueue_indirect_dma source(%dma_start3A_34 : memref<25954x128xf32, #tpu.memory_space<hbm>>) target(%arg10 : memref<128x128xf32, #tpu.memory_space<vmem>>) offsets(%dma_start3A_31 : memref<128xi32, #tpu.memory_space<vmem>>) semaphore(%arg14 : memref<!tpu.dma_semaphore, #tpu.memory_space<semaphore_mem>>)
    %dma_wait3A_35 = arith.constant 128 : i32
    %dma_wait3A_36 = tpu.memref_slice %arg8[%dma_wait3A_35] : memref<1664xi32, #tpu.memory_space<vmem>> -> memref<128xi32, #tpu.memory_space<vmem>>
    %dma_wait3A_37 = arith.constant 0 : i32
    %dma_wait3A_38 = arith.constant 0 : i32
    %dma_wait3A_39 = tpu.memref_slice %arg4[%dma_wait3A_37, %dma_wait3A_38] : memref<25954x128xf32, #tpu.memory_space<hbm>> -> memref<25954x128xf32, #tpu.memory_space<hbm>>
    tpu.wait_indirect_dma semaphore(%arg15 : memref<!tpu.dma_semaphore, #tpu.memory_space<semaphore_mem>>) src(%dma_wait3A_39 : memref<25954x128xf32, #tpu.memory_space<hbm>>) dst(%arg11 : memref<128x128xf32, #tpu.memory_space<vmem>>)
    %add3A_40 = arith.constant 128 : i32
    %add3A_41 = arith.addi %mul3A_2, %add3A_40 : i32
    "tpu.region"() ({
      %run_scoped3A = tpu.sem_alloc : memref<!tpu.dma_semaphore, #tpu.memory_space<semaphore_mem>>
      %dma_start3A_165 = arith.constant 0 : i32
      %dma_start3A_166 = tpu.memref_slice %arg6[%add3A_41, %dma_start3A_165] : memref<53248x128xf32, #tpu.memory_space<hbm>> -> memref<128x128xf32, #tpu.memory_space<hbm>>
      %dma_start3A_167 = arith.constant 0 : i32
      %dma_start3A_168 = tpu.memref_slice %arg6[%add3A_41, %dma_start3A_167] : memref<53248x128xf32, #tpu.memory_space<hbm>> -> memref<128x128xf32, #tpu.memory_space<hbm>>
      tpu.enqueue_dma source(%arg11 : memref<128x128xf32, #tpu.memory_space<vmem>>) target(%dma_start3A_168 : memref<128x128xf32, #tpu.memory_space<hbm>>) target_semaphore(%run_scoped3A : memref<!tpu.dma_semaphore, #tpu.memory_space<semaphore_mem>>)
      %dma_wait3A_169 = arith.constant 0 : i32
      %dma_wait3A_170 = tpu.memref_slice %arg6[%add3A_41, %dma_wait3A_169] : memref<53248x128xf32, #tpu.memory_space<hbm>> -> memref<128x128xf32, #tpu.memory_space<hbm>>
      %dma_wait3A_171 = arith.constant 0 : i32
      %dma_wait3A_172 = tpu.memref_slice %arg6[%add3A_41, %dma_wait3A_171] : memref<53248x128xf32, #tpu.memory_space<hbm>> -> memref<128x128xf32, #tpu.memory_space<hbm>>
      tpu.wait_dma2 semaphore(%run_scoped3A : memref<!tpu.dma_semaphore, #tpu.memory_space<semaphore_mem>>) src(%arg11 : memref<128x128xf32, #tpu.memory_space<vmem>>) dst(%dma_wait3A_172 : memref<128x128xf32, #tpu.memory_space<hbm>>)
      tpu.yield
    }) : () -> ()
    %dma_start3A_42 = arith.constant 640 : i32
    %dma_start3A_43 = tpu.memref_slice %arg8[%dma_start3A_42] : memref<1664xi32, #tpu.memory_space<vmem>> -> memref<128xi32, #tpu.memory_space<vmem>>
    %dma_start3A_44 = arith.constant 0 : i32
    %dma_start3A_45 = arith.constant 0 : i32
    %dma_start3A_46 = tpu.memref_slice %arg4[%dma_start3A_44, %dma_start3A_45] : memref<25954x128xf32, #tpu.memory_space<hbm>> -> memref<25954x128xf32, #tpu.memory_space<hbm>>
    tpu.enqueue_indirect_dma source(%dma_start3A_46 : memref<25954x128xf32, #tpu.memory_space<hbm>>) target(%arg11 : memref<128x128xf32, #tpu.memory_space<vmem>>) offsets(%dma_start3A_43 : memref<128xi32, #tpu.memory_space<vmem>>) semaphore(%arg15 : memref<!tpu.dma_semaphore, #tpu.memory_space<semaphore_mem>>)
    %dma_wait3A_47 = arith.constant 256 : i32
    %dma_wait3A_48 = tpu.memref_slice %arg8[%dma_wait3A_47] : memref<1664xi32, #tpu.memory_space<vmem>> -> memref<128xi32, #tpu.memory_space<vmem>>
    %dma_wait3A_49 = arith.constant 0 : i32
    %dma_wait3A_50 = arith.constant 0 : i32
    %dma_wait3A_51 = tpu.memref_slice %arg4[%dma_wait3A_49, %dma_wait3A_50] : memref<25954x128xf32, #tpu.memory_space<hbm>> -> memref<25954x128xf32, #tpu.memory_space<hbm>>
    tpu.wait_indirect_dma semaphore(%arg16 : memref<!tpu.dma_semaphore, #tpu.memory_space<semaphore_mem>>) src(%dma_wait3A_51 : memref<25954x128xf32, #tpu.memory_space<hbm>>) dst(%arg12 : memref<128x128xf32, #tpu.memory_space<vmem>>)
    %add3A_52 = arith.constant 256 : i32
    %add3A_53 = arith.addi %mul3A_2, %add3A_52 : i32
    "tpu.region"() ({
      %run_scoped3A = tpu.sem_alloc : memref<!tpu.dma_semaphore, #tpu.memory_space<semaphore_mem>>
      %dma_start3A_165 = arith.constant 0 : i32
      %dma_start3A_166 = tpu.memref_slice %arg6[%add3A_53, %dma_start3A_165] : memref<53248x128xf32, #tpu.memory_space<hbm>> -> memref<128x128xf32, #tpu.memory_space<hbm>>
      %dma_start3A_167 = arith.constant 0 : i32
      %dma_start3A_168 = tpu.memref_slice %arg6[%add3A_53, %dma_start3A_167] : memref<53248x128xf32, #tpu.memory_space<hbm>> -> memref<128x128xf32, #tpu.memory_space<hbm>>
      tpu.enqueue_dma source(%arg12 : memref<128x128xf32, #tpu.memory_space<vmem>>) target(%dma_start3A_168 : memref<128x128xf32, #tpu.memory_space<hbm>>) target_semaphore(%run_scoped3A : memref<!tpu.dma_semaphore, #tpu.memory_space<semaphore_mem>>)
      %dma_wait3A_169 = arith.constant 0 : i32
      %dma_wait3A_170 = tpu.memref_slice %arg6[%add3A_53, %dma_wait3A_169] : memref<53248x128xf32, #tpu.memory_space<hbm>> -> memref<128x128xf32, #tpu.memory_space<hbm>>
      %dma_wait3A_171 = arith.constant 0 : i32
      %dma_wait3A_172 = tpu.memref_slice %arg6[%add3A_53, %dma_wait3A_171] : memref<53248x128xf32, #tpu.memory_space<hbm>> -> memref<128x128xf32, #tpu.memory_space<hbm>>
      tpu.wait_dma2 semaphore(%run_scoped3A : memref<!tpu.dma_semaphore, #tpu.memory_space<semaphore_mem>>) src(%arg12 : memref<128x128xf32, #tpu.memory_space<vmem>>) dst(%dma_wait3A_172 : memref<128x128xf32, #tpu.memory_space<hbm>>)
      tpu.yield
    }) : () -> ()
    %dma_start3A_54 = arith.constant 768 : i32
    %dma_start3A_55 = tpu.memref_slice %arg8[%dma_start3A_54] : memref<1664xi32, #tpu.memory_space<vmem>> -> memref<128xi32, #tpu.memory_space<vmem>>
    %dma_start3A_56 = arith.constant 0 : i32
    %dma_start3A_57 = arith.constant 0 : i32
    %dma_start3A_58 = tpu.memref_slice %arg4[%dma_start3A_56, %dma_start3A_57] : memref<25954x128xf32, #tpu.memory_space<hbm>> -> memref<25954x128xf32, #tpu.memory_space<hbm>>
    tpu.enqueue_indirect_dma source(%dma_start3A_58 : memref<25954x128xf32, #tpu.memory_space<hbm>>) target(%arg12 : memref<128x128xf32, #tpu.memory_space<vmem>>) offsets(%dma_start3A_55 : memref<128xi32, #tpu.memory_space<vmem>>) semaphore(%arg16 : memref<!tpu.dma_semaphore, #tpu.memory_space<semaphore_mem>>)
    %dma_wait3A_59 = arith.constant 384 : i32
    %dma_wait3A_60 = tpu.memref_slice %arg8[%dma_wait3A_59] : memref<1664xi32, #tpu.memory_space<vmem>> -> memref<128xi32, #tpu.memory_space<vmem>>
    %dma_wait3A_61 = arith.constant 0 : i32
    %dma_wait3A_62 = arith.constant 0 : i32
    %dma_wait3A_63 = tpu.memref_slice %arg4[%dma_wait3A_61, %dma_wait3A_62] : memref<25954x128xf32, #tpu.memory_space<hbm>> -> memref<25954x128xf32, #tpu.memory_space<hbm>>
    tpu.wait_indirect_dma semaphore(%arg17 : memref<!tpu.dma_semaphore, #tpu.memory_space<semaphore_mem>>) src(%dma_wait3A_63 : memref<25954x128xf32, #tpu.memory_space<hbm>>) dst(%arg13 : memref<128x128xf32, #tpu.memory_space<vmem>>)
    %add3A_64 = arith.constant 384 : i32
    %add3A_65 = arith.addi %mul3A_2, %add3A_64 : i32
    "tpu.region"() ({
      %run_scoped3A = tpu.sem_alloc : memref<!tpu.dma_semaphore, #tpu.memory_space<semaphore_mem>>
      %dma_start3A_165 = arith.constant 0 : i32
      %dma_start3A_166 = tpu.memref_slice %arg6[%add3A_65, %dma_start3A_165] : memref<53248x128xf32, #tpu.memory_space<hbm>> -> memref<128x128xf32, #tpu.memory_space<hbm>>
      %dma_start3A_167 = arith.constant 0 : i32
      %dma_start3A_168 = tpu.memref_slice %arg6[%add3A_65, %dma_start3A_167] : memref<53248x128xf32, #tpu.memory_space<hbm>> -> memref<128x128xf32, #tpu.memory_space<hbm>>
      tpu.enqueue_dma source(%arg13 : memref<128x128xf32, #tpu.memory_space<vmem>>) target(%dma_start3A_168 : memref<128x128xf32, #tpu.memory_space<hbm>>) target_semaphore(%run_scoped3A : memref<!tpu.dma_semaphore, #tpu.memory_space<semaphore_mem>>)
      %dma_wait3A_169 = arith.constant 0 : i32
      %dma_wait3A_170 = tpu.memref_slice %arg6[%add3A_65, %dma_wait3A_169] : memref<53248x128xf32, #tpu.memory_space<hbm>> -> memref<128x128xf32, #tpu.memory_space<hbm>>
      %dma_wait3A_171 = arith.constant 0 : i32
      %dma_wait3A_172 = tpu.memref_slice %arg6[%add3A_65, %dma_wait3A_171] : memref<53248x128xf32, #tpu.memory_space<hbm>> -> memref<128x128xf32, #tpu.memory_space<hbm>>
      tpu.wait_dma2 semaphore(%run_scoped3A : memref<!tpu.dma_semaphore, #tpu.memory_space<semaphore_mem>>) src(%arg13 : memref<128x128xf32, #tpu.memory_space<vmem>>) dst(%dma_wait3A_172 : memref<128x128xf32, #tpu.memory_space<hbm>>)
      tpu.yield
    }) : () -> ()
    %dma_start3A_66 = arith.constant 896 : i32
    %dma_start3A_67 = tpu.memref_slice %arg8[%dma_start3A_66] : memref<1664xi32, #tpu.memory_space<vmem>> -> memref<128xi32, #tpu.memory_space<vmem>>
    %dma_start3A_68 = arith.constant 0 : i32
    %dma_start3A_69 = arith.constant 0 : i32
    %dma_start3A_70 = tpu.memref_slice %arg4[%dma_start3A_68, %dma_start3A_69] : memref<25954x128xf32, #tpu.memory_space<hbm>> -> memref<25954x128xf32, #tpu.memory_space<hbm>>
    tpu.enqueue_indirect_dma source(%dma_start3A_70 : memref<25954x128xf32, #tpu.memory_space<hbm>>) target(%arg13 : memref<128x128xf32, #tpu.memory_space<vmem>>) offsets(%dma_start3A_67 : memref<128xi32, #tpu.memory_space<vmem>>) semaphore(%arg17 : memref<!tpu.dma_semaphore, #tpu.memory_space<semaphore_mem>>)
    %dma_wait3A_71 = arith.constant 512 : i32
    %dma_wait3A_72 = tpu.memref_slice %arg8[%dma_wait3A_71] : memref<1664xi32, #tpu.memory_space<vmem>> -> memref<128xi32, #tpu.memory_space<vmem>>
    %dma_wait3A_73 = arith.constant 0 : i32
    %dma_wait3A_74 = arith.constant 0 : i32
    %dma_wait3A_75 = tpu.memref_slice %arg4[%dma_wait3A_73, %dma_wait3A_74] : memref<25954x128xf32, #tpu.memory_space<hbm>> -> memref<25954x128xf32, #tpu.memory_space<hbm>>
    tpu.wait_indirect_dma semaphore(%arg14 : memref<!tpu.dma_semaphore, #tpu.memory_space<semaphore_mem>>) src(%dma_wait3A_75 : memref<25954x128xf32, #tpu.memory_space<hbm>>) dst(%arg10 : memref<128x128xf32, #tpu.memory_space<vmem>>)
    %add3A_76 = arith.constant 512 : i32
    %add3A_77 = arith.addi %mul3A_2, %add3A_76 : i32
    "tpu.region"() ({
      %run_scoped3A = tpu.sem_alloc : memref<!tpu.dma_semaphore, #tpu.memory_space<semaphore_mem>>
      %dma_start3A_165 = arith.constant 0 : i32
      %dma_start3A_166 = tpu.memref_slice %arg6[%add3A_77, %dma_start3A_165] : memref<53248x128xf32, #tpu.memory_space<hbm>> -> memref<128x128xf32, #tpu.memory_space<hbm>>
      %dma_start3A_167 = arith.constant 0 : i32
      %dma_start3A_168 = tpu.memref_slice %arg6[%add3A_77, %dma_start3A_167] : memref<53248x128xf32, #tpu.memory_space<hbm>> -> memref<128x128xf32, #tpu.memory_space<hbm>>
      tpu.enqueue_dma source(%arg10 : memref<128x128xf32, #tpu.memory_space<vmem>>) target(%dma_start3A_168 : memref<128x128xf32, #tpu.memory_space<hbm>>) target_semaphore(%run_scoped3A : memref<!tpu.dma_semaphore, #tpu.memory_space<semaphore_mem>>)
      %dma_wait3A_169 = arith.constant 0 : i32
      %dma_wait3A_170 = tpu.memref_slice %arg6[%add3A_77, %dma_wait3A_169] : memref<53248x128xf32, #tpu.memory_space<hbm>> -> memref<128x128xf32, #tpu.memory_space<hbm>>
      %dma_wait3A_171 = arith.constant 0 : i32
      %dma_wait3A_172 = tpu.memref_slice %arg6[%add3A_77, %dma_wait3A_171] : memref<53248x128xf32, #tpu.memory_space<hbm>> -> memref<128x128xf32, #tpu.memory_space<hbm>>
      tpu.wait_dma2 semaphore(%run_scoped3A : memref<!tpu.dma_semaphore, #tpu.memory_space<semaphore_mem>>) src(%arg10 : memref<128x128xf32, #tpu.memory_space<vmem>>) dst(%dma_wait3A_172 : memref<128x128xf32, #tpu.memory_space<hbm>>)
      tpu.yield
    }) : () -> ()
    %dma_start3A_78 = arith.constant 1024 : i32
    %dma_start3A_79 = tpu.memref_slice %arg8[%dma_start3A_78] : memref<1664xi32, #tpu.memory_space<vmem>> -> memref<128xi32, #tpu.memory_space<vmem>>
    %dma_start3A_80 = arith.constant 0 : i32
    %dma_start3A_81 = arith.constant 0 : i32
    %dma_start3A_82 = tpu.memref_slice %arg4[%dma_start3A_80, %dma_start3A_81] : memref<25954x128xf32, #tpu.memory_space<hbm>> -> memref<25954x128xf32, #tpu.memory_space<hbm>>
    tpu.enqueue_indirect_dma source(%dma_start3A_82 : memref<25954x128xf32, #tpu.memory_space<hbm>>) target(%arg10 : memref<128x128xf32, #tpu.memory_space<vmem>>) offsets(%dma_start3A_79 : memref<128xi32, #tpu.memory_space<vmem>>) semaphore(%arg14 : memref<!tpu.dma_semaphore, #tpu.memory_space<semaphore_mem>>)
    %dma_wait3A_83 = arith.constant 640 : i32
    %dma_wait3A_84 = tpu.memref_slice %arg8[%dma_wait3A_83] : memref<1664xi32, #tpu.memory_space<vmem>> -> memref<128xi32, #tpu.memory_space<vmem>>
    %dma_wait3A_85 = arith.constant 0 : i32
    %dma_wait3A_86 = arith.constant 0 : i32
    %dma_wait3A_87 = tpu.memref_slice %arg4[%dma_wait3A_85, %dma_wait3A_86] : memref<25954x128xf32, #tpu.memory_space<hbm>> -> memref<25954x128xf32, #tpu.memory_space<hbm>>
    tpu.wait_indirect_dma semaphore(%arg15 : memref<!tpu.dma_semaphore, #tpu.memory_space<semaphore_mem>>) src(%dma_wait3A_87 : memref<25954x128xf32, #tpu.memory_space<hbm>>) dst(%arg11 : memref<128x128xf32, #tpu.memory_space<vmem>>)
    %add3A_88 = arith.constant 640 : i32
    %add3A_89 = arith.addi %mul3A_2, %add3A_88 : i32
    "tpu.region"() ({
      %run_scoped3A = tpu.sem_alloc : memref<!tpu.dma_semaphore, #tpu.memory_space<semaphore_mem>>
      %dma_start3A_165 = arith.constant 0 : i32
      %dma_start3A_166 = tpu.memref_slice %arg6[%add3A_89, %dma_start3A_165] : memref<53248x128xf32, #tpu.memory_space<hbm>> -> memref<128x128xf32, #tpu.memory_space<hbm>>
      %dma_start3A_167 = arith.constant 0 : i32
      %dma_start3A_168 = tpu.memref_slice %arg6[%add3A_89, %dma_start3A_167] : memref<53248x128xf32, #tpu.memory_space<hbm>> -> memref<128x128xf32, #tpu.memory_space<hbm>>
      tpu.enqueue_dma source(%arg11 : memref<128x128xf32, #tpu.memory_space<vmem>>) target(%dma_start3A_168 : memref<128x128xf32, #tpu.memory_space<hbm>>) target_semaphore(%run_scoped3A : memref<!tpu.dma_semaphore, #tpu.memory_space<semaphore_mem>>)
      %dma_wait3A_169 = arith.constant 0 : i32
      %dma_wait3A_170 = tpu.memref_slice %arg6[%add3A_89, %dma_wait3A_169] : memref<53248x128xf32, #tpu.memory_space<hbm>> -> memref<128x128xf32, #tpu.memory_space<hbm>>
      %dma_wait3A_171 = arith.constant 0 : i32
      %dma_wait3A_172 = tpu.memref_slice %arg6[%add3A_89, %dma_wait3A_171] : memref<53248x128xf32, #tpu.memory_space<hbm>> -> memref<128x128xf32, #tpu.memory_space<hbm>>
      tpu.wait_dma2 semaphore(%run_scoped3A : memref<!tpu.dma_semaphore, #tpu.memory_space<semaphore_mem>>) src(%arg11 : memref<128x128xf32, #tpu.memory_space<vmem>>) dst(%dma_wait3A_172 : memref<128x128xf32, #tpu.memory_space<hbm>>)
      tpu.yield
    }) : () -> ()
    %dma_start3A_90 = arith.constant 1152 : i32
    %dma_start3A_91 = tpu.memref_slice %arg8[%dma_start3A_90] : memref<1664xi32, #tpu.memory_space<vmem>> -> memref<128xi32, #tpu.memory_space<vmem>>
    %dma_start3A_92 = arith.constant 0 : i32
    %dma_start3A_93 = arith.constant 0 : i32
    %dma_start3A_94 = tpu.memref_slice %arg4[%dma_start3A_92, %dma_start3A_93] : memref<25954x128xf32, #tpu.memory_space<hbm>> -> memref<25954x128xf32, #tpu.memory_space<hbm>>
    tpu.enqueue_indirect_dma source(%dma_start3A_94 : memref<25954x128xf32, #tpu.memory_space<hbm>>) target(%arg11 : memref<128x128xf32, #tpu.memory_space<vmem>>) offsets(%dma_start3A_91 : memref<128xi32, #tpu.memory_space<vmem>>) semaphore(%arg15 : memref<!tpu.dma_semaphore, #tpu.memory_space<semaphore_mem>>)
    %dma_wait3A_95 = arith.constant 768 : i32
    %dma_wait3A_96 = tpu.memref_slice %arg8[%dma_wait3A_95] : memref<1664xi32, #tpu.memory_space<vmem>> -> memref<128xi32, #tpu.memory_space<vmem>>
    %dma_wait3A_97 = arith.constant 0 : i32
    %dma_wait3A_98 = arith.constant 0 : i32
    %dma_wait3A_99 = tpu.memref_slice %arg4[%dma_wait3A_97, %dma_wait3A_98] : memref<25954x128xf32, #tpu.memory_space<hbm>> -> memref<25954x128xf32, #tpu.memory_space<hbm>>
    tpu.wait_indirect_dma semaphore(%arg16 : memref<!tpu.dma_semaphore, #tpu.memory_space<semaphore_mem>>) src(%dma_wait3A_99 : memref<25954x128xf32, #tpu.memory_space<hbm>>) dst(%arg12 : memref<128x128xf32, #tpu.memory_space<vmem>>)
    %add3A_100 = arith.constant 768 : i32
    %add3A_101 = arith.addi %mul3A_2, %add3A_100 : i32
    "tpu.region"() ({
      %run_scoped3A = tpu.sem_alloc : memref<!tpu.dma_semaphore, #tpu.memory_space<semaphore_mem>>
      %dma_start3A_165 = arith.constant 0 : i32
      %dma_start3A_166 = tpu.memref_slice %arg6[%add3A_101, %dma_start3A_165] : memref<53248x128xf32, #tpu.memory_space<hbm>> -> memref<128x128xf32, #tpu.memory_space<hbm>>
      %dma_start3A_167 = arith.constant 0 : i32
      %dma_start3A_168 = tpu.memref_slice %arg6[%add3A_101, %dma_start3A_167] : memref<53248x128xf32, #tpu.memory_space<hbm>> -> memref<128x128xf32, #tpu.memory_space<hbm>>
      tpu.enqueue_dma source(%arg12 : memref<128x128xf32, #tpu.memory_space<vmem>>) target(%dma_start3A_168 : memref<128x128xf32, #tpu.memory_space<hbm>>) target_semaphore(%run_scoped3A : memref<!tpu.dma_semaphore, #tpu.memory_space<semaphore_mem>>)
      %dma_wait3A_169 = arith.constant 0 : i32
      %dma_wait3A_170 = tpu.memref_slice %arg6[%add3A_101, %dma_wait3A_169] : memref<53248x128xf32, #tpu.memory_space<hbm>> -> memref<128x128xf32, #tpu.memory_space<hbm>>
      %dma_wait3A_171 = arith.constant 0 : i32
      %dma_wait3A_172 = tpu.memref_slice %arg6[%add3A_101, %dma_wait3A_171] : memref<53248x128xf32, #tpu.memory_space<hbm>> -> memref<128x128xf32, #tpu.memory_space<hbm>>
      tpu.wait_dma2 semaphore(%run_scoped3A : memref<!tpu.dma_semaphore, #tpu.memory_space<semaphore_mem>>) src(%arg12 : memref<128x128xf32, #tpu.memory_space<vmem>>) dst(%dma_wait3A_172 : memref<128x128xf32, #tpu.memory_space<hbm>>)
      tpu.yield
    }) : () -> ()
    %dma_start3A_102 = arith.constant 1280 : i32
    %dma_start3A_103 = tpu.memref_slice %arg8[%dma_start3A_102] : memref<1664xi32, #tpu.memory_space<vmem>> -> memref<128xi32, #tpu.memory_space<vmem>>
    %dma_start3A_104 = arith.constant 0 : i32
    %dma_start3A_105 = arith.constant 0 : i32
    %dma_start3A_106 = tpu.memref_slice %arg4[%dma_start3A_104, %dma_start3A_105] : memref<25954x128xf32, #tpu.memory_space<hbm>> -> memref<25954x128xf32, #tpu.memory_space<hbm>>
    tpu.enqueue_indirect_dma source(%dma_start3A_106 : memref<25954x128xf32, #tpu.memory_space<hbm>>) target(%arg12 : memref<128x128xf32, #tpu.memory_space<vmem>>) offsets(%dma_start3A_103 : memref<128xi32, #tpu.memory_space<vmem>>) semaphore(%arg16 : memref<!tpu.dma_semaphore, #tpu.memory_space<semaphore_mem>>)
    %dma_wait3A_107 = arith.constant 896 : i32
    %dma_wait3A_108 = tpu.memref_slice %arg8[%dma_wait3A_107] : memref<1664xi32, #tpu.memory_space<vmem>> -> memref<128xi32, #tpu.memory_space<vmem>>
    %dma_wait3A_109 = arith.constant 0 : i32
    %dma_wait3A_110 = arith.constant 0 : i32
    %dma_wait3A_111 = tpu.memref_slice %arg4[%dma_wait3A_109, %dma_wait3A_110] : memref<25954x128xf32, #tpu.memory_space<hbm>> -> memref<25954x128xf32, #tpu.memory_space<hbm>>
    tpu.wait_indirect_dma semaphore(%arg17 : memref<!tpu.dma_semaphore, #tpu.memory_space<semaphore_mem>>) src(%dma_wait3A_111 : memref<25954x128xf32, #tpu.memory_space<hbm>>) dst(%arg13 : memref<128x128xf32, #tpu.memory_space<vmem>>)
    %add3A_112 = arith.constant 896 : i32
    %add3A_113 = arith.addi %mul3A_2, %add3A_112 : i32
    "tpu.region"() ({
      %run_scoped3A = tpu.sem_alloc : memref<!tpu.dma_semaphore, #tpu.memory_space<semaphore_mem>>
      %dma_start3A_165 = arith.constant 0 : i32
      %dma_start3A_166 = tpu.memref_slice %arg6[%add3A_113, %dma_start3A_165] : memref<53248x128xf32, #tpu.memory_space<hbm>> -> memref<128x128xf32, #tpu.memory_space<hbm>>
      %dma_start3A_167 = arith.constant 0 : i32
      %dma_start3A_168 = tpu.memref_slice %arg6[%add3A_113, %dma_start3A_167] : memref<53248x128xf32, #tpu.memory_space<hbm>> -> memref<128x128xf32, #tpu.memory_space<hbm>>
      tpu.enqueue_dma source(%arg13 : memref<128x128xf32, #tpu.memory_space<vmem>>) target(%dma_start3A_168 : memref<128x128xf32, #tpu.memory_space<hbm>>) target_semaphore(%run_scoped3A : memref<!tpu.dma_semaphore, #tpu.memory_space<semaphore_mem>>)
      %dma_wait3A_169 = arith.constant 0 : i32
      %dma_wait3A_170 = tpu.memref_slice %arg6[%add3A_113, %dma_wait3A_169] : memref<53248x128xf32, #tpu.memory_space<hbm>> -> memref<128x128xf32, #tpu.memory_space<hbm>>
      %dma_wait3A_171 = arith.constant 0 : i32
      %dma_wait3A_172 = tpu.memref_slice %arg6[%add3A_113, %dma_wait3A_171] : memref<53248x128xf32, #tpu.memory_space<hbm>> -> memref<128x128xf32, #tpu.memory_space<hbm>>
      tpu.wait_dma2 semaphore(%run_scoped3A : memref<!tpu.dma_semaphore, #tpu.memory_space<semaphore_mem>>) src(%arg13 : memref<128x128xf32, #tpu.memory_space<vmem>>) dst(%dma_wait3A_172 : memref<128x128xf32, #tpu.memory_space<hbm>>)
      tpu.yield
    }) : () -> ()
    %dma_start3A_114 = arith.constant 1408 : i32
    %dma_start3A_115 = tpu.memref_slice %arg8[%dma_start3A_114] : memref<1664xi32, #tpu.memory_space<vmem>> -> memref<128xi32, #tpu.memory_space<vmem>>
    %dma_start3A_116 = arith.constant 0 : i32
    %dma_start3A_117 = arith.constant 0 : i32
    %dma_start3A_118 = tpu.memref_slice %arg4[%dma_start3A_116, %dma_start3A_117] : memref<25954x128xf32, #tpu.memory_space<hbm>> -> memref<25954x128xf32, #tpu.memory_space<hbm>>
    tpu.enqueue_indirect_dma source(%dma_start3A_118 : memref<25954x128xf32, #tpu.memory_space<hbm>>) target(%arg13 : memref<128x128xf32, #tpu.memory_space<vmem>>) offsets(%dma_start3A_115 : memref<128xi32, #tpu.memory_space<vmem>>) semaphore(%arg17 : memref<!tpu.dma_semaphore, #tpu.memory_space<semaphore_mem>>)
    %dma_wait3A_119 = arith.constant 1024 : i32
    %dma_wait3A_120 = tpu.memref_slice %arg8[%dma_wait3A_119] : memref<1664xi32, #tpu.memory_space<vmem>> -> memref<128xi32, #tpu.memory_space<vmem>>
    %dma_wait3A_121 = arith.constant 0 : i32
    %dma_wait3A_122 = arith.constant 0 : i32
    %dma_wait3A_123 = tpu.memref_slice %arg4[%dma_wait3A_121, %dma_wait3A_122] : memref<25954x128xf32, #tpu.memory_space<hbm>> -> memref<25954x128xf32, #tpu.memory_space<hbm>>
    tpu.wait_indirect_dma semaphore(%arg14 : memref<!tpu.dma_semaphore, #tpu.memory_space<semaphore_mem>>) src(%dma_wait3A_123 : memref<25954x128xf32, #tpu.memory_space<hbm>>) dst(%arg10 : memref<128x128xf32, #tpu.memory_space<vmem>>)
    %add3A_124 = arith.constant 1024 : i32
    %add3A_125 = arith.addi %mul3A_2, %add3A_124 : i32
    "tpu.region"() ({
      %run_scoped3A = tpu.sem_alloc : memref<!tpu.dma_semaphore, #tpu.memory_space<semaphore_mem>>
      %dma_start3A_165 = arith.constant 0 : i32
      %dma_start3A_166 = tpu.memref_slice %arg6[%add3A_125, %dma_start3A_165] : memref<53248x128xf32, #tpu.memory_space<hbm>> -> memref<128x128xf32, #tpu.memory_space<hbm>>
      %dma_start3A_167 = arith.constant 0 : i32
      %dma_start3A_168 = tpu.memref_slice %arg6[%add3A_125, %dma_start3A_167] : memref<53248x128xf32, #tpu.memory_space<hbm>> -> memref<128x128xf32, #tpu.memory_space<hbm>>
      tpu.enqueue_dma source(%arg10 : memref<128x128xf32, #tpu.memory_space<vmem>>) target(%dma_start3A_168 : memref<128x128xf32, #tpu.memory_space<hbm>>) target_semaphore(%run_scoped3A : memref<!tpu.dma_semaphore, #tpu.memory_space<semaphore_mem>>)
      %dma_wait3A_169 = arith.constant 0 : i32
      %dma_wait3A_170 = tpu.memref_slice %arg6[%add3A_125, %dma_wait3A_169] : memref<53248x128xf32, #tpu.memory_space<hbm>> -> memref<128x128xf32, #tpu.memory_space<hbm>>
      %dma_wait3A_171 = arith.constant 0 : i32
      %dma_wait3A_172 = tpu.memref_slice %arg6[%add3A_125, %dma_wait3A_171] : memref<53248x128xf32, #tpu.memory_space<hbm>> -> memref<128x128xf32, #tpu.memory_space<hbm>>
      tpu.wait_dma2 semaphore(%run_scoped3A : memref<!tpu.dma_semaphore, #tpu.memory_space<semaphore_mem>>) src(%arg10 : memref<128x128xf32, #tpu.memory_space<vmem>>) dst(%dma_wait3A_172 : memref<128x128xf32, #tpu.memory_space<hbm>>)
      tpu.yield
    }) : () -> ()
    %dma_start3A_126 = arith.constant 1536 : i32
    %dma_start3A_127 = tpu.memref_slice %arg8[%dma_start3A_126] : memref<1664xi32, #tpu.memory_space<vmem>> -> memref<128xi32, #tpu.memory_space<vmem>>
    %dma_start3A_128 = arith.constant 0 : i32
    %dma_start3A_129 = arith.constant 0 : i32
    %dma_start3A_130 = tpu.memref_slice %arg4[%dma_start3A_128, %dma_start3A_129] : memref<25954x128xf32, #tpu.memory_space<hbm>> -> memref<25954x128xf32, #tpu.memory_space<hbm>>
    tpu.enqueue_indirect_dma source(%dma_start3A_130 : memref<25954x128xf32, #tpu.memory_space<hbm>>) target(%arg10 : memref<128x128xf32, #tpu.memory_space<vmem>>) offsets(%dma_start3A_127 : memref<128xi32, #tpu.memory_space<vmem>>) semaphore(%arg14 : memref<!tpu.dma_semaphore, #tpu.memory_space<semaphore_mem>>)
    %dma_wait3A_131 = arith.constant 1152 : i32
    %dma_wait3A_132 = tpu.memref_slice %arg8[%dma_wait3A_131] : memref<1664xi32, #tpu.memory_space<vmem>> -> memref<128xi32, #tpu.memory_space<vmem>>
    %dma_wait3A_133 = arith.constant 0 : i32
    %dma_wait3A_134 = arith.constant 0 : i32
    %dma_wait3A_135 = tpu.memref_slice %arg4[%dma_wait3A_133, %dma_wait3A_134] : memref<25954x128xf32, #tpu.memory_space<hbm>> -> memref<25954x128xf32, #tpu.memory_space<hbm>>
    tpu.wait_indirect_dma semaphore(%arg15 : memref<!tpu.dma_semaphore, #tpu.memory_space<semaphore_mem>>) src(%dma_wait3A_135 : memref<25954x128xf32, #tpu.memory_space<hbm>>) dst(%arg11 : memref<128x128xf32, #tpu.memory_space<vmem>>)
    %add3A_136 = arith.constant 1152 : i32
    %add3A_137 = arith.addi %mul3A_2, %add3A_136 : i32
    "tpu.region"() ({
      %run_scoped3A = tpu.sem_alloc : memref<!tpu.dma_semaphore, #tpu.memory_space<semaphore_mem>>
      %dma_start3A_165 = arith.constant 0 : i32
      %dma_start3A_166 = tpu.memref_slice %arg6[%add3A_137, %dma_start3A_165] : memref<53248x128xf32, #tpu.memory_space<hbm>> -> memref<128x128xf32, #tpu.memory_space<hbm>>
      %dma_start3A_167 = arith.constant 0 : i32
      %dma_start3A_168 = tpu.memref_slice %arg6[%add3A_137, %dma_start3A_167] : memref<53248x128xf32, #tpu.memory_space<hbm>> -> memref<128x128xf32, #tpu.memory_space<hbm>>
      tpu.enqueue_dma source(%arg11 : memref<128x128xf32, #tpu.memory_space<vmem>>) target(%dma_start3A_168 : memref<128x128xf32, #tpu.memory_space<hbm>>) target_semaphore(%run_scoped3A : memref<!tpu.dma_semaphore, #tpu.memory_space<semaphore_mem>>)
      %dma_wait3A_169 = arith.constant 0 : i32
      %dma_wait3A_170 = tpu.memref_slice %arg6[%add3A_137, %dma_wait3A_169] : memref<53248x128xf32, #tpu.memory_space<hbm>> -> memref<128x128xf32, #tpu.memory_space<hbm>>
      %dma_wait3A_171 = arith.constant 0 : i32
      %dma_wait3A_172 = tpu.memref_slice %arg6[%add3A_137, %dma_wait3A_171] : memref<53248x128xf32, #tpu.memory_space<hbm>> -> memref<128x128xf32, #tpu.memory_space<hbm>>
      tpu.wait_dma2 semaphore(%run_scoped3A : memref<!tpu.dma_semaphore, #tpu.memory_space<semaphore_mem>>) src(%arg11 : memref<128x128xf32, #tpu.memory_space<vmem>>) dst(%dma_wait3A_172 : memref<128x128xf32, #tpu.memory_space<hbm>>)
      tpu.yield
    }) : () -> ()
    %dma_start3A_138 = arith.constant 0 : i32
    %dma_start3A_139 = arith.constant 0 : i32
    %dma_start3A_140 = tpu.memref_slice %arg5[%dma_start3A_138, %dma_start3A_139] : memref<5000x128xf32, #tpu.memory_space<hbm>> -> memref<5000x128xf32, #tpu.memory_space<hbm>>
    tpu.enqueue_indirect_dma source(%dma_start3A_140 : memref<5000x128xf32, #tpu.memory_space<hbm>>) target(%arg11 : memref<128x128xf32, #tpu.memory_space<vmem>>) offsets(%arg9 : memref<128xi32, #tpu.memory_space<vmem>>) semaphore(%arg15 : memref<!tpu.dma_semaphore, #tpu.memory_space<semaphore_mem>>)
    %dma_wait3A_141 = arith.constant 1280 : i32
    %dma_wait3A_142 = tpu.memref_slice %arg8[%dma_wait3A_141] : memref<1664xi32, #tpu.memory_space<vmem>> -> memref<128xi32, #tpu.memory_space<vmem>>
    %dma_wait3A_143 = arith.constant 0 : i32
    %dma_wait3A_144 = arith.constant 0 : i32
    %dma_wait3A_145 = tpu.memref_slice %arg4[%dma_wait3A_143, %dma_wait3A_144] : memref<25954x128xf32, #tpu.memory_space<hbm>> -> memref<25954x128xf32, #tpu.memory_space<hbm>>
    tpu.wait_indirect_dma semaphore(%arg16 : memref<!tpu.dma_semaphore, #tpu.memory_space<semaphore_mem>>) src(%dma_wait3A_145 : memref<25954x128xf32, #tpu.memory_space<hbm>>) dst(%arg12 : memref<128x128xf32, #tpu.memory_space<vmem>>)
    %add3A_146 = arith.constant 1280 : i32
    %add3A_147 = arith.addi %mul3A_2, %add3A_146 : i32
    "tpu.region"() ({
      %run_scoped3A = tpu.sem_alloc : memref<!tpu.dma_semaphore, #tpu.memory_space<semaphore_mem>>
      %dma_start3A_165 = arith.constant 0 : i32
      %dma_start3A_166 = tpu.memref_slice %arg6[%add3A_147, %dma_start3A_165] : memref<53248x128xf32, #tpu.memory_space<hbm>> -> memref<128x128xf32, #tpu.memory_space<hbm>>
      %dma_start3A_167 = arith.constant 0 : i32
      %dma_start3A_168 = tpu.memref_slice %arg6[%add3A_147, %dma_start3A_167] : memref<53248x128xf32, #tpu.memory_space<hbm>> -> memref<128x128xf32, #tpu.memory_space<hbm>>
      tpu.enqueue_dma source(%arg12 : memref<128x128xf32, #tpu.memory_space<vmem>>) target(%dma_start3A_168 : memref<128x128xf32, #tpu.memory_space<hbm>>) target_semaphore(%run_scoped3A : memref<!tpu.dma_semaphore, #tpu.memory_space<semaphore_mem>>)
      %dma_wait3A_169 = arith.constant 0 : i32
      %dma_wait3A_170 = tpu.memref_slice %arg6[%add3A_147, %dma_wait3A_169] : memref<53248x128xf32, #tpu.memory_space<hbm>> -> memref<128x128xf32, #tpu.memory_space<hbm>>
      %dma_wait3A_171 = arith.constant 0 : i32
      %dma_wait3A_172 = tpu.memref_slice %arg6[%add3A_147, %dma_wait3A_171] : memref<53248x128xf32, #tpu.memory_space<hbm>> -> memref<128x128xf32, #tpu.memory_space<hbm>>
      tpu.wait_dma2 semaphore(%run_scoped3A : memref<!tpu.dma_semaphore, #tpu.memory_space<semaphore_mem>>) src(%arg12 : memref<128x128xf32, #tpu.memory_space<vmem>>) dst(%dma_wait3A_172 : memref<128x128xf32, #tpu.memory_space<hbm>>)
      tpu.yield
    }) : () -> ()
    %dma_wait3A_148 = arith.constant 1408 : i32
    %dma_wait3A_149 = tpu.memref_slice %arg8[%dma_wait3A_148] : memref<1664xi32, #tpu.memory_space<vmem>> -> memref<128xi32, #tpu.memory_space<vmem>>
    %dma_wait3A_150 = arith.constant 0 : i32
    %dma_wait3A_151 = arith.constant 0 : i32
    %dma_wait3A_152 = tpu.memref_slice %arg4[%dma_wait3A_150, %dma_wait3A_151] : memref<25954x128xf32, #tpu.memory_space<hbm>> -> memref<25954x128xf32, #tpu.memory_space<hbm>>
    tpu.wait_indirect_dma semaphore(%arg17 : memref<!tpu.dma_semaphore, #tpu.memory_space<semaphore_mem>>) src(%dma_wait3A_152 : memref<25954x128xf32, #tpu.memory_space<hbm>>) dst(%arg13 : memref<128x128xf32, #tpu.memory_space<vmem>>)
    %add3A_153 = arith.constant 1408 : i32
    %add3A_154 = arith.addi %mul3A_2, %add3A_153 : i32
    "tpu.region"() ({
      %run_scoped3A = tpu.sem_alloc : memref<!tpu.dma_semaphore, #tpu.memory_space<semaphore_mem>>
      %dma_start3A_165 = arith.constant 0 : i32
      %dma_start3A_166 = tpu.memref_slice %arg6[%add3A_154, %dma_start3A_165] : memref<53248x128xf32, #tpu.memory_space<hbm>> -> memref<128x128xf32, #tpu.memory_space<hbm>>
      %dma_start3A_167 = arith.constant 0 : i32
      %dma_start3A_168 = tpu.memref_slice %arg6[%add3A_154, %dma_start3A_167] : memref<53248x128xf32, #tpu.memory_space<hbm>> -> memref<128x128xf32, #tpu.memory_space<hbm>>
      tpu.enqueue_dma source(%arg13 : memref<128x128xf32, #tpu.memory_space<vmem>>) target(%dma_start3A_168 : memref<128x128xf32, #tpu.memory_space<hbm>>) target_semaphore(%run_scoped3A : memref<!tpu.dma_semaphore, #tpu.memory_space<semaphore_mem>>)
      %dma_wait3A_169 = arith.constant 0 : i32
      %dma_wait3A_170 = tpu.memref_slice %arg6[%add3A_154, %dma_wait3A_169] : memref<53248x128xf32, #tpu.memory_space<hbm>> -> memref<128x128xf32, #tpu.memory_space<hbm>>
      %dma_wait3A_171 = arith.constant 0 : i32
      %dma_wait3A_172 = tpu.memref_slice %arg6[%add3A_154, %dma_wait3A_171] : memref<53248x128xf32, #tpu.memory_space<hbm>> -> memref<128x128xf32, #tpu.memory_space<hbm>>
      tpu.wait_dma2 semaphore(%run_scoped3A : memref<!tpu.dma_semaphore, #tpu.memory_space<semaphore_mem>>) src(%arg13 : memref<128x128xf32, #tpu.memory_space<vmem>>) dst(%dma_wait3A_172 : memref<128x128xf32, #tpu.memory_space<hbm>>)
      tpu.yield
    }) : () -> ()
    %dma_wait3A_155 = arith.constant 1536 : i32
    %dma_wait3A_156 = tpu.memref_slice %arg8[%dma_wait3A_155] : memref<1664xi32, #tpu.memory_space<vmem>> -> memref<128xi32, #tpu.memory_space<vmem>>
    %dma_wait3A_157 = arith.constant 0 : i32
    %dma_wait3A_158 = arith.constant 0 : i32
    %dma_wait3A_159 = tpu.memref_slice %arg4[%dma_wait3A_157, %dma_wait3A_158] : memref<25954x128xf32, #tpu.memory_space<hbm>> -> memref<25954x128xf32, #tpu.memory_space<hbm>>
    tpu.wait_indirect_dma semaphore(%arg14 : memref<!tpu.dma_semaphore, #tpu.memory_space<semaphore_mem>>) src(%dma_wait3A_159 : memref<25954x128xf32, #tpu.memory_space<hbm>>) dst(%arg10 : memref<128x128xf32, #tpu.memory_space<vmem>>)
    %add3A_160 = arith.constant 1536 : i32
    %add3A_161 = arith.addi %mul3A_2, %add3A_160 : i32
    "tpu.region"() ({
      %run_scoped3A = tpu.sem_alloc : memref<!tpu.dma_semaphore, #tpu.memory_space<semaphore_mem>>
      %dma_start3A_165 = arith.constant 0 : i32
      %dma_start3A_166 = tpu.memref_slice %arg6[%add3A_161, %dma_start3A_165] : memref<53248x128xf32, #tpu.memory_space<hbm>> -> memref<128x128xf32, #tpu.memory_space<hbm>>
      %dma_start3A_167 = arith.constant 0 : i32
      %dma_start3A_168 = tpu.memref_slice %arg6[%add3A_161, %dma_start3A_167] : memref<53248x128xf32, #tpu.memory_space<hbm>> -> memref<128x128xf32, #tpu.memory_space<hbm>>
      tpu.enqueue_dma source(%arg10 : memref<128x128xf32, #tpu.memory_space<vmem>>) target(%dma_start3A_168 : memref<128x128xf32, #tpu.memory_space<hbm>>) target_semaphore(%run_scoped3A : memref<!tpu.dma_semaphore, #tpu.memory_space<semaphore_mem>>)
      %dma_wait3A_169 = arith.constant 0 : i32
      %dma_wait3A_170 = tpu.memref_slice %arg6[%add3A_161, %dma_wait3A_169] : memref<53248x128xf32, #tpu.memory_space<hbm>> -> memref<128x128xf32, #tpu.memory_space<hbm>>
      %dma_wait3A_171 = arith.constant 0 : i32
      %dma_wait3A_172 = tpu.memref_slice %arg6[%add3A_161, %dma_wait3A_171] : memref<53248x128xf32, #tpu.memory_space<hbm>> -> memref<128x128xf32, #tpu.memory_space<hbm>>
      tpu.wait_dma2 semaphore(%run_scoped3A : memref<!tpu.dma_semaphore, #tpu.memory_space<semaphore_mem>>) src(%arg10 : memref<128x128xf32, #tpu.memory_space<vmem>>) dst(%dma_wait3A_172 : memref<128x128xf32, #tpu.memory_space<hbm>>)
      tpu.yield
    }) : () -> ()
    %dma_wait3A_162 = arith.constant 0 : i32
    %dma_wait3A_163 = arith.constant 0 : i32
    %dma_wait3A_164 = tpu.memref_slice %arg5[%dma_wait3A_162, %dma_wait3A_163] : memref<5000x128xf32, #tpu.memory_space<hbm>> -> memref<5000x128xf32, #tpu.memory_space<hbm>>
    tpu.wait_indirect_dma semaphore(%arg15 : memref<!tpu.dma_semaphore, #tpu.memory_space<semaphore_mem>>) src(%dma_wait3A_164 : memref<5000x128xf32, #tpu.memory_space<hbm>>) dst(%arg11 : memref<128x128xf32, #tpu.memory_space<vmem>>)
    "tpu.region"() ({
      %run_scoped3A = tpu.sem_alloc : memref<!tpu.dma_semaphore, #tpu.memory_space<semaphore_mem>>
      %dma_start3A_165 = arith.constant 0 : i32
      %dma_start3A_166 = tpu.memref_slice %arg7[%mul3A_4, %dma_start3A_165] : memref<4096x128xf32, #tpu.memory_space<hbm>> -> memref<128x128xf32, #tpu.memory_space<hbm>>
      %dma_start3A_167 = arith.constant 0 : i32
      %dma_start3A_168 = tpu.memref_slice %arg7[%mul3A_4, %dma_start3A_167] : memref<4096x128xf32, #tpu.memory_space<hbm>> -> memref<128x128xf32, #tpu.memory_space<hbm>>
      tpu.enqueue_dma source(%arg11 : memref<128x128xf32, #tpu.memory_space<vmem>>) target(%dma_start3A_168 : memref<128x128xf32, #tpu.memory_space<hbm>>) target_semaphore(%run_scoped3A : memref<!tpu.dma_semaphore, #tpu.memory_space<semaphore_mem>>)
      %dma_wait3A_169 = arith.constant 0 : i32
      %dma_wait3A_170 = tpu.memref_slice %arg7[%mul3A_4, %dma_wait3A_169] : memref<4096x128xf32, #tpu.memory_space<hbm>> -> memref<128x128xf32, #tpu.memory_space<hbm>>
      %dma_wait3A_171 = arith.constant 0 : i32
      %dma_wait3A_172 = tpu.memref_slice %arg7[%mul3A_4, %dma_wait3A_171] : memref<4096x128xf32, #tpu.memory_space<hbm>> -> memref<128x128xf32, #tpu.memory_space<hbm>>
      tpu.wait_dma2 semaphore(%run_scoped3A : memref<!tpu.dma_semaphore, #tpu.memory_space<semaphore_mem>>) src(%arg11 : memref<128x128xf32, #tpu.memory_space<vmem>>) dst(%dma_wait3A_172 : memref<128x128xf32, #tpu.memory_space<hbm>>)
      tpu.yield
    }) : () -> ()
    return
  }
}

module attributes {stable_mosaic.version = 14 : i64} {
  func.func @_prep_body(%arg0: memref<100x10xf32, #tpu.memory_space<vmem>>, %arg1: memref<5000x10xf32, #tpu.memory_space<vmem>>, %arg2: memref<50x10xf32, #tpu.memory_space<vmem>>, %arg3: memref<10000x10xf32, #tpu.memory_space<vmem>>, %arg4: memref<10000x10xf32, #tpu.memory_space<vmem>>, %arg5: memref<100x10xf32, #tpu.memory_space<vmem>>, %arg6: memref<3x10xf32, #tpu.memory_space<vmem>>, %arg7: memref<10x10xf32, #tpu.memory_space<vmem>>, %arg8: memref<35x10xf32, #tpu.memory_space<vmem>>, %arg9: memref<400x10xf32, #tpu.memory_space<vmem>>, %arg10: memref<6x10xf32, #tpu.memory_space<vmem>>, %arg11: memref<50x10xf32, #tpu.memory_space<vmem>>, %arg12: memref<200x10xf32, #tpu.memory_space<vmem>>, %arg13: memref<5000x100xf32, #tpu.memory_space<vmem>>, %arg14: memref<25954x128xf32, #tpu.memory_space<vmem>>, %arg15: memref<5000x128xf32, #tpu.memory_space<vmem>>) attributes {dimension_semantics = [], scalar_prefetch = 0 : i64, scratch_operands = 0 : i64, tpu.core_type = #tpu.core_type<tc>} {
    %get3A = arith.constant 0 : index
    %get3A_0 = arith.constant 0 : index
    %get3A_1 = vector.load %arg0[%get3A, %get3A_0] : memref<100x10xf32, #tpu.memory_space<vmem>>, vector<100x10xf32>
    %broadcast_in_dim3A = arith.constant 0.000000e+00 : f32
    %broadcast_in_dim3A_2 = vector.broadcast %broadcast_in_dim3A : f32 to vector<100x118xf32>
    %concatenate3A = tpu.concatenate %get3A_1, %broadcast_in_dim3A_2 in 1 : vector<100x10xf32>, vector<100x118xf32> -> vector<100x128xf32>
    %swap3A = arith.constant 0 : index
    %swap3A_3 = arith.constant 0 : index
    %swap3A_4 = vector.load %arg14[%swap3A, %swap3A_3] : memref<25954x128xf32, #tpu.memory_space<vmem>>, vector<100x128xf32>
    tpu.vector_store %arg14[%swap3A, %swap3A_3], %concatenate3A {strides = array<i32>} : memref<25954x128xf32, #tpu.memory_space<vmem>>, vector<100x128xf32>,
    %get3A_5 = arith.constant 0 : index
    %get3A_6 = arith.constant 0 : index
    %get3A_7 = vector.load %arg1[%get3A_5, %get3A_6] : memref<5000x10xf32, #tpu.memory_space<vmem>>, vector<5000x10xf32>
    %broadcast_in_dim3A_8 = arith.constant 0.000000e+00 : f32
    %broadcast_in_dim3A_9 = vector.broadcast %broadcast_in_dim3A_8 : f32 to vector<5000x118xf32>
    %concatenate3A_10 = tpu.concatenate %get3A_7, %broadcast_in_dim3A_9 in 1 : vector<5000x10xf32>, vector<5000x118xf32> -> vector<5000x128xf32>
    %swap3A_11 = arith.constant 100 : index
    %swap3A_12 = arith.constant 0 : index
    %swap3A_13 = vector.load %arg14[%swap3A_11, %swap3A_12] : memref<25954x128xf32, #tpu.memory_space<vmem>>, vector<5000x128xf32>
    tpu.vector_store %arg14[%swap3A_11, %swap3A_12], %concatenate3A_10 {strides = array<i32>} : memref<25954x128xf32, #tpu.memory_space<vmem>>, vector<5000x128xf32>,
    %get3A_14 = arith.constant 0 : index
    %get3A_15 = arith.constant 0 : index
    %get3A_16 = vector.load %arg2[%get3A_14, %get3A_15] : memref<50x10xf32, #tpu.memory_space<vmem>>, vector<50x10xf32>
    %broadcast_in_dim3A_17 = arith.constant 0.000000e+00 : f32
    %broadcast_in_dim3A_18 = vector.broadcast %broadcast_in_dim3A_17 : f32 to vector<50x118xf32>
    %concatenate3A_19 = tpu.concatenate %get3A_16, %broadcast_in_dim3A_18 in 1 : vector<50x10xf32>, vector<50x118xf32> -> vector<50x128xf32>
    %swap3A_20 = arith.constant 5100 : index
    %swap3A_21 = arith.constant 0 : index
    %swap3A_22 = vector.load %arg14[%swap3A_20, %swap3A_21] : memref<25954x128xf32, #tpu.memory_space<vmem>>, vector<50x128xf32>
    tpu.vector_store %arg14[%swap3A_20, %swap3A_21], %concatenate3A_19 {strides = array<i32>} : memref<25954x128xf32, #tpu.memory_space<vmem>>, vector<50x128xf32>,
    %get3A_23 = arith.constant 0 : index
    %get3A_24 = arith.constant 0 : index
    %get3A_25 = vector.load %arg3[%get3A_23, %get3A_24] : memref<10000x10xf32, #tpu.memory_space<vmem>>, vector<10000x10xf32>
    %broadcast_in_dim3A_26 = arith.constant 0.000000e+00 : f32
    %broadcast_in_dim3A_27 = vector.broadcast %broadcast_in_dim3A_26 : f32 to vector<10000x118xf32>
    %concatenate3A_28 = tpu.concatenate %get3A_25, %broadcast_in_dim3A_27 in 1 : vector<10000x10xf32>, vector<10000x118xf32> -> vector<10000x128xf32>
    %swap3A_29 = arith.constant 5150 : index
    %swap3A_30 = arith.constant 0 : index
    %swap3A_31 = vector.load %arg14[%swap3A_29, %swap3A_30] : memref<25954x128xf32, #tpu.memory_space<vmem>>, vector<10000x128xf32>
    tpu.vector_store %arg14[%swap3A_29, %swap3A_30], %concatenate3A_28 {strides = array<i32>} : memref<25954x128xf32, #tpu.memory_space<vmem>>, vector<10000x128xf32>,
    %get3A_32 = arith.constant 0 : index
    %get3A_33 = arith.constant 0 : index
    %get3A_34 = vector.load %arg4[%get3A_32, %get3A_33] : memref<10000x10xf32, #tpu.memory_space<vmem>>, vector<10000x10xf32>
    %broadcast_in_dim3A_35 = arith.constant 0.000000e+00 : f32
    %broadcast_in_dim3A_36 = vector.broadcast %broadcast_in_dim3A_35 : f32 to vector<10000x118xf32>
    %concatenate3A_37 = tpu.concatenate %get3A_34, %broadcast_in_dim3A_36 in 1 : vector<10000x10xf32>, vector<10000x118xf32> -> vector<10000x128xf32>
    %swap3A_38 = arith.constant 15150 : index
    %swap3A_39 = arith.constant 0 : index
    %swap3A_40 = vector.load %arg14[%swap3A_38, %swap3A_39] : memref<25954x128xf32, #tpu.memory_space<vmem>>, vector<10000x128xf32>
    tpu.vector_store %arg14[%swap3A_38, %swap3A_39], %concatenate3A_37 {strides = array<i32>} : memref<25954x128xf32, #tpu.memory_space<vmem>>, vector<10000x128xf32>,
    %get3A_41 = arith.constant 0 : index
    %get3A_42 = arith.constant 0 : index
    %get3A_43 = vector.load %arg5[%get3A_41, %get3A_42] : memref<100x10xf32, #tpu.memory_space<vmem>>, vector<100x10xf32>
    %broadcast_in_dim3A_44 = arith.constant 0.000000e+00 : f32
    %broadcast_in_dim3A_45 = vector.broadcast %broadcast_in_dim3A_44 : f32 to vector<100x118xf32>
    %concatenate3A_46 = tpu.concatenate %get3A_43, %broadcast_in_dim3A_45 in 1 : vector<100x10xf32>, vector<100x118xf32> -> vector<100x128xf32>
    %swap3A_47 = arith.constant 25150 : index
    %swap3A_48 = arith.constant 0 : index
    %swap3A_49 = vector.load %arg14[%swap3A_47, %swap3A_48] : memref<25954x128xf32, #tpu.memory_space<vmem>>, vector<100x128xf32>
    tpu.vector_store %arg14[%swap3A_47, %swap3A_48], %concatenate3A_46 {strides = array<i32>} : memref<25954x128xf32, #tpu.memory_space<vmem>>, vector<100x128xf32>,
    %get3A_50 = arith.constant 0 : index
    %get3A_51 = arith.constant 0 : index
    %get3A_52 = vector.load %arg6[%get3A_50, %get3A_51] : memref<3x10xf32, #tpu.memory_space<vmem>>, vector<3x10xf32>
    %broadcast_in_dim3A_53 = arith.constant 0.000000e+00 : f32
    %broadcast_in_dim3A_54 = vector.broadcast %broadcast_in_dim3A_53 : f32 to vector<3x118xf32>
    %concatenate3A_55 = tpu.concatenate %get3A_52, %broadcast_in_dim3A_54 in 1 : vector<3x10xf32>, vector<3x118xf32> -> vector<3x128xf32>
    %swap3A_56 = arith.constant 25250 : index
    %swap3A_57 = arith.constant 0 : index
    %swap3A_58 = vector.load %arg14[%swap3A_56, %swap3A_57] : memref<25954x128xf32, #tpu.memory_space<vmem>>, vector<3x128xf32>
    tpu.vector_store %arg14[%swap3A_56, %swap3A_57], %concatenate3A_55 {strides = array<i32>} : memref<25954x128xf32, #tpu.memory_space<vmem>>, vector<3x128xf32>,
    %get3A_59 = arith.constant 0 : index
    %get3A_60 = arith.constant 0 : index
    %get3A_61 = vector.load %arg7[%get3A_59, %get3A_60] : memref<10x10xf32, #tpu.memory_space<vmem>>, vector<10x10xf32>
    %broadcast_in_dim3A_62 = arith.constant 0.000000e+00 : f32
    %broadcast_in_dim3A_63 = vector.broadcast %broadcast_in_dim3A_62 : f32 to vector<10x118xf32>
    %concatenate3A_64 = tpu.concatenate %get3A_61, %broadcast_in_dim3A_63 in 1 : vector<10x10xf32>, vector<10x118xf32> -> vector<10x128xf32>
    %swap3A_65 = arith.constant 25253 : index
    %swap3A_66 = arith.constant 0 : index
    %swap3A_67 = vector.load %arg14[%swap3A_65, %swap3A_66] : memref<25954x128xf32, #tpu.memory_space<vmem>>, vector<10x128xf32>
    tpu.vector_store %arg14[%swap3A_65, %swap3A_66], %concatenate3A_64 {strides = array<i32>} : memref<25954x128xf32, #tpu.memory_space<vmem>>, vector<10x128xf32>,
    %get3A_68 = arith.constant 0 : index
    %get3A_69 = arith.constant 0 : index
    %get3A_70 = vector.load %arg8[%get3A_68, %get3A_69] : memref<35x10xf32, #tpu.memory_space<vmem>>, vector<35x10xf32>
    %broadcast_in_dim3A_71 = arith.constant 0.000000e+00 : f32
    %broadcast_in_dim3A_72 = vector.broadcast %broadcast_in_dim3A_71 : f32 to vector<35x118xf32>
    %concatenate3A_73 = tpu.concatenate %get3A_70, %broadcast_in_dim3A_72 in 1 : vector<35x10xf32>, vector<35x118xf32> -> vector<35x128xf32>
    %swap3A_74 = arith.constant 25263 : index
    %swap3A_75 = arith.constant 0 : index
    %swap3A_76 = vector.load %arg14[%swap3A_74, %swap3A_75] : memref<25954x128xf32, #tpu.memory_space<vmem>>, vector<35x128xf32>
    tpu.vector_store %arg14[%swap3A_74, %swap3A_75], %concatenate3A_73 {strides = array<i32>} : memref<25954x128xf32, #tpu.memory_space<vmem>>, vector<35x128xf32>,
    %get3A_77 = arith.constant 0 : index
    %get3A_78 = arith.constant 0 : index
    %get3A_79 = vector.load %arg9[%get3A_77, %get3A_78] : memref<400x10xf32, #tpu.memory_space<vmem>>, vector<400x10xf32>
    %broadcast_in_dim3A_80 = arith.constant 0.000000e+00 : f32
    %broadcast_in_dim3A_81 = vector.broadcast %broadcast_in_dim3A_80 : f32 to vector<400x118xf32>
    %concatenate3A_82 = tpu.concatenate %get3A_79, %broadcast_in_dim3A_81 in 1 : vector<400x10xf32>, vector<400x118xf32> -> vector<400x128xf32>
    %swap3A_83 = arith.constant 25298 : index
    %swap3A_84 = arith.constant 0 : index
    %swap3A_85 = vector.load %arg14[%swap3A_83, %swap3A_84] : memref<25954x128xf32, #tpu.memory_space<vmem>>, vector<400x128xf32>
    tpu.vector_store %arg14[%swap3A_83, %swap3A_84], %concatenate3A_82 {strides = array<i32>} : memref<25954x128xf32, #tpu.memory_space<vmem>>, vector<400x128xf32>,
    %get3A_86 = arith.constant 0 : index
    %get3A_87 = arith.constant 0 : index
    %get3A_88 = vector.load %arg10[%get3A_86, %get3A_87] : memref<6x10xf32, #tpu.memory_space<vmem>>, vector<6x10xf32>
    %broadcast_in_dim3A_89 = arith.constant 0.000000e+00 : f32
    %broadcast_in_dim3A_90 = vector.broadcast %broadcast_in_dim3A_89 : f32 to vector<6x118xf32>
    %concatenate3A_91 = tpu.concatenate %get3A_88, %broadcast_in_dim3A_90 in 1 : vector<6x10xf32>, vector<6x118xf32> -> vector<6x128xf32>
    %swap3A_92 = arith.constant 25698 : index
    %swap3A_93 = arith.constant 0 : index
    %swap3A_94 = vector.load %arg14[%swap3A_92, %swap3A_93] : memref<25954x128xf32, #tpu.memory_space<vmem>>, vector<6x128xf32>
    tpu.vector_store %arg14[%swap3A_92, %swap3A_93], %concatenate3A_91 {strides = array<i32>} : memref<25954x128xf32, #tpu.memory_space<vmem>>, vector<6x128xf32>,
    %get3A_95 = arith.constant 0 : index
    %get3A_96 = arith.constant 0 : index
    %get3A_97 = vector.load %arg11[%get3A_95, %get3A_96] : memref<50x10xf32, #tpu.memory_space<vmem>>, vector<50x10xf32>
    %broadcast_in_dim3A_98 = arith.constant 0.000000e+00 : f32
    %broadcast_in_dim3A_99 = vector.broadcast %broadcast_in_dim3A_98 : f32 to vector<50x118xf32>
    %concatenate3A_100 = tpu.concatenate %get3A_97, %broadcast_in_dim3A_99 in 1 : vector<50x10xf32>, vector<50x118xf32> -> vector<50x128xf32>
    %swap3A_101 = arith.constant 25704 : index
    %swap3A_102 = arith.constant 0 : index
    %swap3A_103 = vector.load %arg14[%swap3A_101, %swap3A_102] : memref<25954x128xf32, #tpu.memory_space<vmem>>, vector<50x128xf32>
    tpu.vector_store %arg14[%swap3A_101, %swap3A_102], %concatenate3A_100 {strides = array<i32>} : memref<25954x128xf32, #tpu.memory_space<vmem>>, vector<50x128xf32>,
    %get3A_104 = arith.constant 0 : index
    %get3A_105 = arith.constant 0 : index
    %get3A_106 = vector.load %arg12[%get3A_104, %get3A_105] : memref<200x10xf32, #tpu.memory_space<vmem>>, vector<200x10xf32>
    %broadcast_in_dim3A_107 = arith.constant 0.000000e+00 : f32
    %broadcast_in_dim3A_108 = vector.broadcast %broadcast_in_dim3A_107 : f32 to vector<200x118xf32>
    %concatenate3A_109 = tpu.concatenate %get3A_106, %broadcast_in_dim3A_108 in 1 : vector<200x10xf32>, vector<200x118xf32> -> vector<200x128xf32>
    %swap3A_110 = arith.constant 25754 : index
    %swap3A_111 = arith.constant 0 : index
    %swap3A_112 = vector.load %arg14[%swap3A_110, %swap3A_111] : memref<25954x128xf32, #tpu.memory_space<vmem>>, vector<200x128xf32>
    tpu.vector_store %arg14[%swap3A_110, %swap3A_111], %concatenate3A_109 {strides = array<i32>} : memref<25954x128xf32, #tpu.memory_space<vmem>>, vector<200x128xf32>,
    %get3A_113 = arith.constant 0 : index
    %get3A_114 = arith.constant 0 : index
    %get3A_115 = vector.load %arg13[%get3A_113, %get3A_114] : memref<5000x100xf32, #tpu.memory_space<vmem>>, vector<5000x100xf32>
    %broadcast_in_dim3A_116 = arith.constant 0.000000e+00 : f32
    %broadcast_in_dim3A_117 = vector.broadcast %broadcast_in_dim3A_116 : f32 to vector<5000x28xf32>
    %concatenate3A_118 = tpu.concatenate %get3A_115, %broadcast_in_dim3A_117 in 1 : vector<5000x100xf32>, vector<5000x28xf32> -> vector<5000x128xf32>
    %swap3A_119 = arith.constant 0 : index
    %swap3A_120 = arith.constant 0 : index
    %swap3A_121 = vector.load %arg15[%swap3A_119, %swap3A_120] : memref<5000x128xf32, #tpu.memory_space<vmem>>, vector<5000x128xf32>
    tpu.vector_store %arg15[%swap3A_119, %swap3A_120], %concatenate3A_118 {strides = array<i32>} : memref<5000x128xf32, #tpu.memory_space<vmem>>, vector<5000x128xf32>,
    return
  }
}

module attributes {stable_mosaic.version = 14 : i64} {
  func.func @_tc_body(%arg0: i32, %arg1: memref<128x30xi32, #tpu.memory_space<vmem>>, %arg2: memref<128x30x609xf32, #tpu.memory_space<vmem>>, %arg3: memref<128x1664xf32, #tpu.memory_space<vmem>>, %arg4: memref<128x128xf32, #tpu.memory_space<vmem>>, %arg5: memref<609x96xbf16, #tpu.memory_space<vmem>>, %arg6: memref<1x32xbf16, #tpu.memory_space<vmem>>, %arg7: memref<90x896xbf16, #tpu.memory_space<vmem>>, %arg8: memref<1x896xf32, #tpu.memory_space<vmem>>, %arg9: memref<1664x128xbf16, #tpu.memory_space<vmem>>, %arg10: memref<1x128xf32, #tpu.memory_space<vmem>>, %arg11: memref<128x32xf32, #tpu.memory_space<vmem>>, %arg12: memref<1x32xf32, #tpu.memory_space<vmem>>, %arg13: memref<1664x128xbf16, #tpu.memory_space<vmem>>, %arg14: memref<128x128xbf16, #tpu.memory_space<vmem>>, %arg15: memref<928x128xbf16, #tpu.memory_space<vmem>>, %arg16: memref<864x128xbf16, #tpu.memory_space<vmem>>, %arg17: memref<1x128xf32, #tpu.memory_space<vmem>>, %arg18: memref<128x32xf32, #tpu.memory_space<vmem>>, %arg19: memref<1x32xf32, #tpu.memory_space<vmem>>, %arg20: memref<64x64xf32, #tpu.memory_space<vmem>>, %arg21: memref<1x64xf32, #tpu.memory_space<vmem>>, %arg22: memref<64x1xf32, #tpu.memory_space<vmem>>, %arg23: memref<1x1xf32, #tpu.memory_space<vmem>>, %arg24: memref<128x1xf32, #tpu.memory_space<vmem>>) attributes {dimension_semantics = [#tpu.dimension_semantics<arbitrary>], iteration_bounds = array<i64: 32>, scalar_prefetch = 0 : i64, scratch_operands = 0 : i64, tpu.core_type = #tpu.core_type<tc>, window_params = [{transform_indices = @transform_0, window_bounds = array<i64: 128, 30>}, {transform_indices = @transform_1, window_bounds = array<i64: 128, 30, 609>}, {transform_indices = @transform_2, window_bounds = array<i64: 128, 1664>}, {transform_indices = @transform_3, window_bounds = array<i64: 128, 128>}, {pipeline_mode = #tpu.pipeline_mode<synchronous>, transform_indices = @transform_4, window_bounds = array<i64: 609, 96>}, {pipeline_mode = #tpu.pipeline_mode<synchronous>, transform_indices = @transform_5, window_bounds = array<i64: 1, 32>}, {pipeline_mode = #tpu.pipeline_mode<synchronous>, transform_indices = @transform_6, window_bounds = array<i64: 90, 896>}, {pipeline_mode = #tpu.pipeline_mode<synchronous>, transform_indices = @transform_7, window_bounds = array<i64: 1, 896>}, {pipeline_mode = #tpu.pipeline_mode<synchronous>, transform_indices = @transform_8, window_bounds = array<i64: 1664, 128>}, {pipeline_mode = #tpu.pipeline_mode<synchronous>, transform_indices = @transform_9, window_bounds = array<i64: 1, 128>}, {pipeline_mode = #tpu.pipeline_mode<synchronous>, transform_indices = @transform_10, window_bounds = array<i64: 128, 32>}, {pipeline_mode = #tpu.pipeline_mode<synchronous>, transform_indices = @transform_11, window_bounds = array<i64: 1, 32>}, {pipeline_mode = #tpu.pipeline_mode<synchronous>, transform_indices = @transform_12, window_bounds = array<i64: 1664, 128>}, {pipeline_mode = #tpu.pipeline_mode<synchronous>, transform_indices = @transform_13, window_bounds = array<i64: 128, 128>}, {pipeline_mode = #tpu.pipeline_mode<synchronous>, transform_indices = @transform_14, window_bounds = array<i64: 928, 128>}, {pipeline_mode = #tpu.pipeline_mode<synchronous>, transform_indices = @transform_15, window_bounds = array<i64: 864, 128>}, {pipeline_mode = #tpu.pipeline_mode<synchronous>, transform_indices = @transform_16, window_bounds = array<i64: 1, 128>}, {pipeline_mode = #tpu.pipeline_mode<synchronous>, transform_indices = @transform_17, window_bounds = array<i64: 128, 32>}, {pipeline_mode = #tpu.pipeline_mode<synchronous>, transform_indices = @transform_18, window_bounds = array<i64: 1, 32>}, {pipeline_mode = #tpu.pipeline_mode<synchronous>, transform_indices = @transform_19, window_bounds = array<i64: 64, 64>}, {pipeline_mode = #tpu.pipeline_mode<synchronous>, transform_indices = @transform_20, window_bounds = array<i64: 1, 64>}, {pipeline_mode = #tpu.pipeline_mode<synchronous>, transform_indices = @transform_21, window_bounds = array<i64: 64, 1>}, {pipeline_mode = #tpu.pipeline_mode<synchronous>, transform_indices = @transform_22, window_bounds = array<i64: 1, 1>}, {transform_indices = @transform_23, window_bounds = array<i64: 128, 1>}]} {
    %get3A = arith.constant 0 : index
    %get3A_0 = arith.constant 0 : index
    %get3A_1 = arith.constant 0 : index
    %get3A_2 = vector.load %arg2[%get3A, %get3A_0, %get3A_1] : memref<128x30x609xf32, #tpu.memory_space<vmem>>, vector<128x30x609xf32>
    %reshape3A = vector.shape_cast %get3A_2 : vector<128x30x609xf32> to vector<3840x609xf32>
    %convert_element_type3A = arith.truncf %reshape3A : vector<3840x609xf32> to vector<3840x609xbf16>
    %get3A_3 = arith.constant 0 : index
    %get3A_4 = arith.constant 0 : index
    %get3A_5 = vector.load %arg5[%get3A_3, %get3A_4] : memref<609x96xbf16, #tpu.memory_space<vmem>>, vector<609x96xbf16>
    %dot_general3A = arith.constant dense<0.000000e+00> : vector<3840x96xf32>
    %dot_general3A_6 = tpu.matmul %convert_element_type3A, %get3A_5, %dot_general3A {dimension_numbers = #tpu.dot_dimension_numbers<[1], [0], [0], [1], [0, 0, 1, 1], [], []>, transpose_lhs_hint = false} : vector<3840x609xbf16>, vector<609x96xbf16>, vector<3840x96xf32> -> vector<3840x96xf32>
    %slice3A = vector.extract_strided_slice %dot_general3A_6 {offsets = [0, 0], sizes = [3840, 32], strides = [1, 1]} : vector<3840x96xf32> to vector<3840x32xf32>
    %roll3A = arith.constant 3839 : i32
    %roll3A_7 = tpu.dynamic_rotate %dot_general3A_6 by %roll3A dim 0 : vector<3840x96xf32>, i32 -> vector<3840x96xf32>
    %slice3A_8 = vector.extract_strided_slice %roll3A_7 {offsets = [0, 32], sizes = [3840, 32], strides = [1, 1]} : vector<3840x96xf32> to vector<3840x32xf32>
    %add3A = arith.addf %slice3A, %slice3A_8 : vector<3840x32xf32>
    %roll3A_9 = arith.constant 3838 : i32
    %roll3A_10 = tpu.dynamic_rotate %dot_general3A_6 by %roll3A_9 dim 0 : vector<3840x96xf32>, i32 -> vector<3840x96xf32>
    %slice3A_11 = vector.extract_strided_slice %roll3A_10 {offsets = [0, 64], sizes = [3840, 32], strides = [1, 1]} : vector<3840x96xf32> to vector<3840x32xf32>
    %add3A_12 = arith.addf %add3A, %slice3A_11 : vector<3840x32xf32>
    %get3A_13 = arith.constant 0 : index
    %get3A_14 = arith.constant 0 : index
    %get3A_15 = vector.load %arg6[%get3A_13, %get3A_14] : memref<1x32xbf16, #tpu.memory_space<vmem>>, vector<1x32xbf16>
    %convert_element_type3A_16 = arith.extf %get3A_15 : vector<1x32xbf16> to vector<1x32xf32>
    %add3A_17 = vector.broadcast %convert_element_type3A_16 : vector<1x32xf32> to vector<3840x32xf32>
    %add3A_18 = arith.addf %add3A_12, %add3A_17 : vector<3840x32xf32>
    %get3A_19 = arith.constant 0 : index
    %get3A_20 = arith.constant 0 : index
    %get3A_21 = vector.load %arg1[%get3A_19, %get3A_20] : memref<128x30xi32, #tpu.memory_space<vmem>>, vector<128x30xi32>
    %eq3A = arith.constant 0 : i32
    %eq3A_22 = vector.broadcast %eq3A : i32 to vector<128x30xi32>
    %eq3A_23 = arith.cmpi eq, %get3A_21, %eq3A_22 : vector<128x30xi32>
    %jit3A = arith.constant 1.000000e+00 : f32
    %jit3A_24 = arith.constant 0.000000e+00 : f32
    %broadcast_in_dim3A = vector.broadcast %jit3A : f32 to vector<128x30xf32>
    %broadcast_in_dim3A_25 = vector.broadcast %jit3A_24 : f32 to vector<128x30xf32>
    %select_n3A = arith.select %eq3A_23, %broadcast_in_dim3A, %broadcast_in_dim3A_25 : vector<128x30xi1>, vector<128x30xf32>
    %eq3A_26 = arith.constant 1 : i32
    %eq3A_27 = vector.broadcast %eq3A_26 : i32 to vector<128x30xi32>
    %eq3A_28 = arith.cmpi eq, %get3A_21, %eq3A_27 : vector<128x30xi32>
    %jit3A_29 = arith.constant 1.000000e+00 : f32
    %jit3A_30 = arith.constant 0.000000e+00 : f32
    %broadcast_in_dim3A_31 = vector.broadcast %jit3A_29 : f32 to vector<128x30xf32>
    %broadcast_in_dim3A_32 = vector.broadcast %jit3A_30 : f32 to vector<128x30xf32>
    %select_n3A_33 = arith.select %eq3A_28, %broadcast_in_dim3A_31, %broadcast_in_dim3A_32 : vector<128x30xi1>, vector<128x30xf32>
    %eq3A_34 = arith.constant 2 : i32
    %eq3A_35 = vector.broadcast %eq3A_34 : i32 to vector<128x30xi32>
    %eq3A_36 = arith.cmpi eq, %get3A_21, %eq3A_35 : vector<128x30xi32>
    %jit3A_37 = arith.constant 1.000000e+00 : f32
    %jit3A_38 = arith.constant 0.000000e+00 : f32
    %broadcast_in_dim3A_39 = vector.broadcast %jit3A_37 : f32 to vector<128x30xf32>
    %broadcast_in_dim3A_40 = vector.broadcast %jit3A_38 : f32 to vector<128x30xf32>
    %select_n3A_41 = arith.select %eq3A_36, %broadcast_in_dim3A_39, %broadcast_in_dim3A_40 : vector<128x30xi1>, vector<128x30xf32>
    %concatenate3A = tpu.concatenate %select_n3A, %select_n3A_33, %select_n3A_41 in 1 : vector<128x30xf32>, vector<128x30xf32>, vector<128x30xf32> -> vector<128x90xf32>
    %convert_element_type3A_42 = arith.truncf %concatenate3A : vector<128x90xf32> to vector<128x90xbf16>
    %get3A_43 = arith.constant 0 : index
    %get3A_44 = arith.constant 0 : index
    %get3A_45 = vector.load %arg7[%get3A_43, %get3A_44] : memref<90x896xbf16, #tpu.memory_space<vmem>>, vector<90x896xbf16>
    %dot_general3A_46 = arith.constant dense<0.000000e+00> : vector<128x896xf32>
    %dot_general3A_47 = tpu.matmul %convert_element_type3A_42, %get3A_45, %dot_general3A_46 {dimension_numbers = #tpu.dot_dimension_numbers<[1], [0], [0], [1], [0, 0, 1, 1], [], []>, transpose_lhs_hint = false} : vector<128x90xbf16>, vector<90x896xbf16>, vector<128x896xf32> -> vector<128x896xf32>
    %get3A_48 = arith.constant 0 : index
    %get3A_49 = arith.constant 0 : index
    %get3A_50 = vector.load %arg8[%get3A_48, %get3A_49] : memref<1x896xf32, #tpu.memory_space<vmem>>, vector<1x896xf32>
    %add3A_51 = vector.broadcast %get3A_50 : vector<1x896xf32> to vector<128x896xf32>
    %add3A_52 = arith.addf %dot_general3A_47, %add3A_51 : vector<128x896xf32>
    %max3A = arith.constant 0.000000e+00 : f32
    %max3A_53 = vector.broadcast %max3A : f32 to vector<128x896xf32>
    %max3A_54 = arith.maximumf %add3A_52, %max3A_53 : vector<128x896xf32>
    %slice3A_55 = vector.extract_strided_slice %max3A_54 {offsets = [0, 0], sizes = [128, 864], strides = [1, 1]} : vector<128x896xf32> to vector<128x864xf32>
    %slice3A_56 = vector.extract_strided_slice %max3A_54 {offsets = [0, 32], sizes = [128, 864], strides = [1, 1]} : vector<128x896xf32> to vector<128x864xf32>
    %max3A_57 = arith.maximumf %slice3A_55, %slice3A_56 : vector<128x864xf32>
    %convert_element_type3A_58 = arith.truncf %max3A_57 : vector<128x864xf32> to vector<128x864xbf16>
    %max3A_59 = arith.constant 0.000000e+00 : f32
    %max3A_60 = vector.broadcast %max3A_59 : f32 to vector<3840x32xf32>
    %max3A_61 = arith.maximumf %add3A_18, %max3A_60 : vector<3840x32xf32>
    %reshape3A_62 = vector.shape_cast %max3A_61 : vector<3840x32xf32> to vector<128x30x32xf32>
    %slice3A_63 = vector.extract_strided_slice %reshape3A_62 {offsets = [0, 0, 0], sizes = [128, 29, 32], strides = [1, 1, 1]} : vector<128x30x32xf32> to vector<128x29x32xf32>
    %slice3A_64 = vector.extract_strided_slice %reshape3A_62 {offsets = [0, 1, 0], sizes = [128, 29, 32], strides = [1, 1, 1]} : vector<128x30x32xf32> to vector<128x29x32xf32>
    %max3A_65 = arith.maximumf %slice3A_63, %slice3A_64 : vector<128x29x32xf32>
    %reshape3A_66 = vector.shape_cast %max3A_65 : vector<128x29x32xf32> to vector<128x928xf32>
    %convert_element_type3A_67 = arith.truncf %reshape3A_66 : vector<128x928xf32> to vector<128x928xbf16>
    %get3A_68 = arith.constant 0 : index
    %get3A_69 = arith.constant 0 : index
    %get3A_70 = vector.load %arg3[%get3A_68, %get3A_69] : memref<128x1664xf32, #tpu.memory_space<vmem>>, vector<128x1664xf32>
    %convert_element_type3A_71 = arith.truncf %get3A_70 : vector<128x1664xf32> to vector<128x1664xbf16>
    %get3A_72 = arith.constant 0 : index
    %get3A_73 = arith.constant 0 : index
    %get3A_74 = vector.load %arg13[%get3A_72, %get3A_73] : memref<1664x128xbf16, #tpu.memory_space<vmem>>, vector<1664x128xbf16>
    %dot_general3A_75 = arith.constant dense<0.000000e+00> : vector<128x128xf32>
    %dot_general3A_76 = tpu.matmul %convert_element_type3A_71, %get3A_74, %dot_general3A_75 {dimension_numbers = #tpu.dot_dimension_numbers<[1], [0], [0], [1], [0, 0, 1, 1], [], []>, transpose_lhs_hint = false} : vector<128x1664xbf16>, vector<1664x128xbf16>, vector<128x128xf32> -> vector<128x128xf32>
    %get3A_77 = arith.constant 0 : index
    %get3A_78 = arith.constant 0 : index
    %get3A_79 = vector.load %arg4[%get3A_77, %get3A_78] : memref<128x128xf32, #tpu.memory_space<vmem>>, vector<128x128xf32>
    %convert_element_type3A_80 = arith.truncf %get3A_79 : vector<128x128xf32> to vector<128x128xbf16>
    %get3A_81 = arith.constant 0 : index
    %get3A_82 = arith.constant 0 : index
    %get3A_83 = vector.load %arg14[%get3A_81, %get3A_82] : memref<128x128xbf16, #tpu.memory_space<vmem>>, vector<128x128xbf16>
    %dot_general3A_84 = arith.constant dense<0.000000e+00> : vector<128x128xf32>
    %dot_general3A_85 = tpu.matmul %convert_element_type3A_80, %get3A_83, %dot_general3A_84 {dimension_numbers = #tpu.dot_dimension_numbers<[1], [0], [0], [1], [0, 0, 1, 1], [], []>, transpose_lhs_hint = false} : vector<128x128xbf16>, vector<128x128xbf16>, vector<128x128xf32> -> vector<128x128xf32>
    %add3A_86 = arith.addf %dot_general3A_76, %dot_general3A_85 : vector<128x128xf32>
    %get3A_87 = arith.constant 0 : index
    %get3A_88 = arith.constant 0 : index
    %get3A_89 = vector.load %arg15[%get3A_87, %get3A_88] : memref<928x128xbf16, #tpu.memory_space<vmem>>, vector<928x128xbf16>
    %dot_general3A_90 = arith.constant dense<0.000000e+00> : vector<128x128xf32>
    %dot_general3A_91 = tpu.matmul %convert_element_type3A_67, %get3A_89, %dot_general3A_90 {dimension_numbers = #tpu.dot_dimension_numbers<[1], [0], [0], [1], [0, 0, 1, 1], [], []>, transpose_lhs_hint = false} : vector<128x928xbf16>, vector<928x128xbf16>, vector<128x128xf32> -> vector<128x128xf32>
    %add3A_92 = arith.addf %add3A_86, %dot_general3A_91 : vector<128x128xf32>
    %get3A_93 = arith.constant 0 : index
    %get3A_94 = arith.constant 0 : index
    %get3A_95 = vector.load %arg16[%get3A_93, %get3A_94] : memref<864x128xbf16, #tpu.memory_space<vmem>>, vector<864x128xbf16>
    %dot_general3A_96 = arith.constant dense<0.000000e+00> : vector<128x128xf32>
    %dot_general3A_97 = tpu.matmul %convert_element_type3A_58, %get3A_95, %dot_general3A_96 {dimension_numbers = #tpu.dot_dimension_numbers<[1], [0], [0], [1], [0, 0, 1, 1], [], []>, transpose_lhs_hint = false} : vector<128x864xbf16>, vector<864x128xbf16>, vector<128x128xf32> -> vector<128x128xf32>
    %add3A_98 = arith.addf %add3A_92, %dot_general3A_97 : vector<128x128xf32>
    %get3A_99 = arith.constant 0 : index
    %get3A_100 = arith.constant 0 : index
    %get3A_101 = vector.load %arg17[%get3A_99, %get3A_100] : memref<1x128xf32, #tpu.memory_space<vmem>>, vector<1x128xf32>
    %add3A_102 = vector.broadcast %get3A_101 : vector<1x128xf32> to vector<128x128xf32>
    %add3A_103 = arith.addf %add3A_98, %add3A_102 : vector<128x128xf32>
    %max3A_104 = arith.constant 0.000000e+00 : f32
    %max3A_105 = vector.broadcast %max3A_104 : f32 to vector<128x128xf32>
    %max3A_106 = arith.maximumf %add3A_103, %max3A_105 : vector<128x128xf32>
    %get3A_107 = arith.constant 0 : index
    %get3A_108 = arith.constant 0 : index
    %get3A_109 = vector.load %arg18[%get3A_107, %get3A_108] : memref<128x32xf32, #tpu.memory_space<vmem>>, vector<128x32xf32>
    %dot_general3A_110 = arith.constant dense<0.000000e+00> : vector<128x32xf32>
    %dot_general3A_111 = tpu.matmul %max3A_106, %get3A_109, %dot_general3A_110 {dimension_numbers = #tpu.dot_dimension_numbers<[1], [0], [0], [1], [0, 0, 1, 1], [], []>, transpose_lhs_hint = false} : vector<128x128xf32>, vector<128x32xf32>, vector<128x32xf32> -> vector<128x32xf32>
    %get3A_112 = arith.constant 0 : index
    %get3A_113 = arith.constant 0 : index
    %get3A_114 = vector.load %arg19[%get3A_112, %get3A_113] : memref<1x32xf32, #tpu.memory_space<vmem>>, vector<1x32xf32>
    %add3A_115 = vector.broadcast %get3A_114 : vector<1x32xf32> to vector<128x32xf32>
    %add3A_116 = arith.addf %dot_general3A_111, %add3A_115 : vector<128x32xf32>
    %max3A_117 = arith.constant 0.000000e+00 : f32
    %max3A_118 = vector.broadcast %max3A_117 : f32 to vector<128x32xf32>
    %max3A_119 = arith.maximumf %add3A_116, %max3A_118 : vector<128x32xf32>
    %get3A_120 = arith.constant 0 : index
    %get3A_121 = arith.constant 0 : index
    %get3A_122 = vector.load %arg9[%get3A_120, %get3A_121] : memref<1664x128xbf16, #tpu.memory_space<vmem>>, vector<1664x128xbf16>
    %dot_general3A_123 = arith.constant dense<0.000000e+00> : vector<128x128xf32>
    %dot_general3A_124 = tpu.matmul %convert_element_type3A_71, %get3A_122, %dot_general3A_123 {dimension_numbers = #tpu.dot_dimension_numbers<[1], [0], [0], [1], [0, 0, 1, 1], [], []>, transpose_lhs_hint = false} : vector<128x1664xbf16>, vector<1664x128xbf16>, vector<128x128xf32> -> vector<128x128xf32>
    %get3A_125 = arith.constant 0 : index
    %get3A_126 = arith.constant 0 : index
    %get3A_127 = vector.load %arg10[%get3A_125, %get3A_126] : memref<1x128xf32, #tpu.memory_space<vmem>>, vector<1x128xf32>
    %add3A_128 = vector.broadcast %get3A_127 : vector<1x128xf32> to vector<128x128xf32>
    %add3A_129 = arith.addf %dot_general3A_124, %add3A_128 : vector<128x128xf32>
    %max3A_130 = arith.constant 0.000000e+00 : f32
    %max3A_131 = vector.broadcast %max3A_130 : f32 to vector<128x128xf32>
    %max3A_132 = arith.maximumf %add3A_129, %max3A_131 : vector<128x128xf32>
    %get3A_133 = arith.constant 0 : index
    %get3A_134 = arith.constant 0 : index
    %get3A_135 = vector.load %arg11[%get3A_133, %get3A_134] : memref<128x32xf32, #tpu.memory_space<vmem>>, vector<128x32xf32>
    %dot_general3A_136 = arith.constant dense<0.000000e+00> : vector<128x32xf32>
    %dot_general3A_137 = tpu.matmul %max3A_132, %get3A_135, %dot_general3A_136 {dimension_numbers = #tpu.dot_dimension_numbers<[1], [0], [0], [1], [0, 0, 1, 1], [], []>, transpose_lhs_hint = false} : vector<128x128xf32>, vector<128x32xf32>, vector<128x32xf32> -> vector<128x32xf32>
    %get3A_138 = arith.constant 0 : index
    %get3A_139 = arith.constant 0 : index
    %get3A_140 = vector.load %arg12[%get3A_138, %get3A_139] : memref<1x32xf32, #tpu.memory_space<vmem>>, vector<1x32xf32>
    %add3A_141 = vector.broadcast %get3A_140 : vector<1x32xf32> to vector<128x32xf32>
    %add3A_142 = arith.addf %dot_general3A_137, %add3A_141 : vector<128x32xf32>
    %max3A_143 = arith.constant 0.000000e+00 : f32
    %max3A_144 = vector.broadcast %max3A_143 : f32 to vector<128x32xf32>
    %max3A_145 = arith.maximumf %add3A_142, %max3A_144 : vector<128x32xf32>
    %concatenate3A_146 = tpu.concatenate %max3A_119, %max3A_145 in 1 : vector<128x32xf32>, vector<128x32xf32> -> vector<128x64xf32>
    %get3A_147 = arith.constant 0 : index
    %get3A_148 = arith.constant 0 : index
    %get3A_149 = vector.load %arg20[%get3A_147, %get3A_148] : memref<64x64xf32, #tpu.memory_space<vmem>>, vector<64x64xf32>
    %dot_general3A_150 = arith.constant dense<0.000000e+00> : vector<128x64xf32>
    %dot_general3A_151 = tpu.matmul %concatenate3A_146, %get3A_149, %dot_general3A_150 {dimension_numbers = #tpu.dot_dimension_numbers<[1], [0], [0], [1], [0, 0, 1, 1], [], []>, transpose_lhs_hint = false} : vector<128x64xf32>, vector<64x64xf32>, vector<128x64xf32> -> vector<128x64xf32>
    %get3A_152 = arith.constant 0 : index
    %get3A_153 = arith.constant 0 : index
    %get3A_154 = vector.load %arg21[%get3A_152, %get3A_153] : memref<1x64xf32, #tpu.memory_space<vmem>>, vector<1x64xf32>
    %add3A_155 = vector.broadcast %get3A_154 : vector<1x64xf32> to vector<128x64xf32>
    %add3A_156 = arith.addf %dot_general3A_151, %add3A_155 : vector<128x64xf32>
    %max3A_157 = arith.constant 0.000000e+00 : f32
    %max3A_158 = vector.broadcast %max3A_157 : f32 to vector<128x64xf32>
    %max3A_159 = arith.maximumf %add3A_156, %max3A_158 : vector<128x64xf32>
    %get3A_160 = arith.constant 0 : index
    %get3A_161 = arith.constant 0 : index
    %get3A_162 = vector.load %arg22[%get3A_160, %get3A_161] : memref<64x1xf32, #tpu.memory_space<vmem>>, vector<64x1xf32>
    %dot_general3A_163 = arith.constant dense<0.000000e+00> : vector<128x1xf32>
    %dot_general3A_164 = tpu.matmul %max3A_159, %get3A_162, %dot_general3A_163 {dimension_numbers = #tpu.dot_dimension_numbers<[1], [0], [0], [1], [0, 0, 1, 1], [], []>, transpose_lhs_hint = false} : vector<128x64xf32>, vector<64x1xf32>, vector<128x1xf32> -> vector<128x1xf32>
    %get3A_165 = arith.constant 0 : index
    %get3A_166 = arith.constant 0 : index
    %get3A_167 = vector.load %arg23[%get3A_165, %get3A_166] : memref<1x1xf32, #tpu.memory_space<vmem>>, vector<1x1xf32>
    %add3A_168 = vector.broadcast %get3A_167 : vector<1x1xf32> to vector<128x1xf32>
    %add3A_169 = arith.addf %dot_general3A_164, %add3A_168 : vector<128x1xf32>
    %logistic3A = arith.negf %add3A_169 : vector<128x1xf32>
    %logistic3A_170 = math.exp %logistic3A : vector<128x1xf32>
    %logistic3A_171 = arith.constant 1.000000e+00 : f32
    %logistic3A_172 = vector.broadcast %logistic3A_171 : f32 to vector<128x1xf32>
    %logistic3A_173 = arith.addf %logistic3A_172, %logistic3A_170 : vector<128x1xf32>
    %logistic3A_174 = arith.divf %logistic3A_172, %logistic3A_173 : vector<128x1xf32>
    %swap3A = arith.constant 0 : index
    %swap3A_175 = arith.constant 0 : index
    %swap3A_176 = vector.load %arg24[%swap3A, %swap3A_175] : memref<128x1xf32, #tpu.memory_space<vmem>>, vector<128x1xf32>
    tpu.vector_store %arg24[%swap3A, %swap3A_175], %logistic3A_174 {strides = array<i32>} : memref<128x1xf32, #tpu.memory_space<vmem>>, vector<128x1xf32>,
    return
  }
  func.func @transform_0(%arg0: i32) -> (i32, i32) {
    %c0_i32 = arith.constant 0 : i32
    %c0_i32_0 = arith.constant 0 : i32
    return %arg0, %c0_i32 : i32, i32
  }
  func.func @transform_1(%arg0: i32) -> (i32, i32, i32) {
    %c0_i32 = arith.constant 0 : i32
    %c0_i32_0 = arith.constant 0 : i32
    %c0_i32_1 = arith.constant 0 : i32
    return %arg0, %c0_i32, %c0_i32_0 : i32, i32, i32
  }
  func.func @transform_2(%arg0: i32) -> (i32, i32) {
    %c0_i32 = arith.constant 0 : i32
    %c0_i32_0 = arith.constant 0 : i32
    return %arg0, %c0_i32 : i32, i32
  }
  func.func @transform_3(%arg0: i32) -> (i32, i32) {
    %c0_i32 = arith.constant 0 : i32
    %c0_i32_0 = arith.constant 0 : i32
    return %arg0, %c0_i32 : i32, i32
  }
  func.func @transform_4(%arg0: i32) -> (i32, i32) {
    %c0_i32 = arith.constant 0 : i32
    %c0_i32_0 = arith.constant 0 : i32
    %c0_i32_1 = arith.constant 0 : i32
    return %c0_i32, %c0_i32_0 : i32, i32
  }
  func.func @transform_5(%arg0: i32) -> (i32, i32) {
    %c0_i32 = arith.constant 0 : i32
    %c0_i32_0 = arith.constant 0 : i32
    %c0_i32_1 = arith.constant 0 : i32
    return %c0_i32, %c0_i32_0 : i32, i32
  }
  func.func @transform_6(%arg0: i32) -> (i32, i32) {
    %c0_i32 = arith.constant 0 : i32
    %c0_i32_0 = arith.constant 0 : i32
    %c0_i32_1 = arith.constant 0 : i32
    return %c0_i32, %c0_i32_0 : i32, i32
  }
  func.func @transform_7(%arg0: i32) -> (i32, i32) {
    %c0_i32 = arith.constant 0 : i32
    %c0_i32_0 = arith.constant 0 : i32
    %c0_i32_1 = arith.constant 0 : i32
    return %c0_i32, %c0_i32_0 : i32, i32
  }
  func.func @transform_8(%arg0: i32) -> (i32, i32) {
    %c0_i32 = arith.constant 0 : i32
    %c0_i32_0 = arith.constant 0 : i32
    %c0_i32_1 = arith.constant 0 : i32
    return %c0_i32, %c0_i32_0 : i32, i32
  }
  func.func @transform_9(%arg0: i32) -> (i32, i32) {
    %c0_i32 = arith.constant 0 : i32
    %c0_i32_0 = arith.constant 0 : i32
    %c0_i32_1 = arith.constant 0 : i32
    return %c0_i32, %c0_i32_0 : i32, i32
  }
  func.func @transform_10(%arg0: i32) -> (i32, i32) {
    %c0_i32 = arith.constant 0 : i32
    %c0_i32_0 = arith.constant 0 : i32
    %c0_i32_1 = arith.constant 0 : i32
    return %c0_i32, %c0_i32_0 : i32, i32
  }
  func.func @transform_11(%arg0: i32) -> (i32, i32) {
    %c0_i32 = arith.constant 0 : i32
    %c0_i32_0 = arith.constant 0 : i32
    %c0_i32_1 = arith.constant 0 : i32
    return %c0_i32, %c0_i32_0 : i32, i32
  }
  func.func @transform_12(%arg0: i32) -> (i32, i32) {
    %c0_i32 = arith.constant 0 : i32
    %c0_i32_0 = arith.constant 0 : i32
    %c0_i32_1 = arith.constant 0 : i32
    return %c0_i32, %c0_i32_0 : i32, i32
  }
  func.func @transform_13(%arg0: i32) -> (i32, i32) {
    %c0_i32 = arith.constant 0 : i32
    %c0_i32_0 = arith.constant 0 : i32
    %c0_i32_1 = arith.constant 0 : i32
    return %c0_i32, %c0_i32_0 : i32, i32
  }
  func.func @transform_14(%arg0: i32) -> (i32, i32) {
    %c0_i32 = arith.constant 0 : i32
    %c0_i32_0 = arith.constant 0 : i32
    %c0_i32_1 = arith.constant 0 : i32
    return %c0_i32, %c0_i32_0 : i32, i32
  }
  func.func @transform_15(%arg0: i32) -> (i32, i32) {
    %c0_i32 = arith.constant 0 : i32
    %c0_i32_0 = arith.constant 0 : i32
    %c0_i32_1 = arith.constant 0 : i32
    return %c0_i32, %c0_i32_0 : i32, i32
  }
  func.func @transform_16(%arg0: i32) -> (i32, i32) {
    %c0_i32 = arith.constant 0 : i32
    %c0_i32_0 = arith.constant 0 : i32
    %c0_i32_1 = arith.constant 0 : i32
    return %c0_i32, %c0_i32_0 : i32, i32
  }
  func.func @transform_17(%arg0: i32) -> (i32, i32) {
    %c0_i32 = arith.constant 0 : i32
    %c0_i32_0 = arith.constant 0 : i32
    %c0_i32_1 = arith.constant 0 : i32
    return %c0_i32, %c0_i32_0 : i32, i32
  }
  func.func @transform_18(%arg0: i32) -> (i32, i32) {
    %c0_i32 = arith.constant 0 : i32
    %c0_i32_0 = arith.constant 0 : i32
    %c0_i32_1 = arith.constant 0 : i32
    return %c0_i32, %c0_i32_0 : i32, i32
  }
  func.func @transform_19(%arg0: i32) -> (i32, i32) {
    %c0_i32 = arith.constant 0 : i32
    %c0_i32_0 = arith.constant 0 : i32
    %c0_i32_1 = arith.constant 0 : i32
    return %c0_i32, %c0_i32_0 : i32, i32
  }
  func.func @transform_20(%arg0: i32) -> (i32, i32) {
    %c0_i32 = arith.constant 0 : i32
    %c0_i32_0 = arith.constant 0 : i32
    %c0_i32_1 = arith.constant 0 : i32
    return %c0_i32, %c0_i32_0 : i32, i32
  }
  func.func @transform_21(%arg0: i32) -> (i32, i32) {
    %c0_i32 = arith.constant 0 : i32
    %c0_i32_0 = arith.constant 0 : i32
    %c0_i32_1 = arith.constant 0 : i32
    return %c0_i32, %c0_i32_0 : i32, i32
  }
  func.func @transform_22(%arg0: i32) -> (i32, i32) {
    %c0_i32 = arith.constant 0 : i32
    %c0_i32_0 = arith.constant 0 : i32
    %c0_i32_1 = arith.constant 0 : i32
    return %c0_i32, %c0_i32_0 : i32, i32
  }
  func.func @transform_23(%arg0: i32) -> (i32, i32) {
    %c0_i32 = arith.constant 0 : i32
    %c0_i32_0 = arith.constant 0 : i32
    return %arg0, %c0_i32 : i32, i32
  }
}

</mosaic_0001>

<sc_bundles>
// kernel: kernel.5.cloned.1.call-start
scs
__scs_entry_jumppad:
0x0: {  	(pc) =	sbr.rel $0x88, $3  }
0x1: {  	(tag) =	ssettag $0x0;
	lr =	simm.s32 $0x1  }
0x2: {  	[smem:$0x3F72] =	sst lr;
	_ =	strace $0xD0000000  }
0x3: {  	_ = 	snop  }
0x4: {  	_ = 	snop  }
0x5: {  	_ = 	snop  }
0x6: {  	_ = 	snop  }
0x7: {  	_ = 	snop  }
__scs_overlays_trampoline_lowered:
0x8: {  	[smem:$0x3F81] =	sst s0  }
0x9: {  	[smem:$0x3F82] =	sst s1  }
0xa: {  	[smem:$0x3F83] =	sst s2  }
0xb: {  	[smem:$0x3F84] =	sst s3  }
0xc: {  	[smem:$0x3F85] =	sst s4  }
0xd: {  	[smem:$0x3F86] =	sst s5  }
0xe: {  	[smem:$0x3F87] =	sst s6  }
0xf: {  	[smem:$0x3F88] =	sst s7  }
0x10: {  	[smem:$0x3F89] =	sst s8  }
0x11: {  	[smem:$0x3F8A] =	sst s9;
	s0 =	simm.s32 @!p0 $0x0  }
0x12: {  	s1 =	sld [smem:$0x3F70];
	s0 =	simm.s32 @p0 $0x1  }
0x13: {  	[smem:$0x3F8B] =	sst s0;
	s0 =	simm.s32 @!p1 $0x0  }
0x14: {  	s2 =	sld [smem:$0x3F6F];
	s0 =	simm.s32 @p1 $0x1  }
0x15: {  	[smem:$0x3F8C] =	sst s0;
	s0 =	simm.s32 @!p2 $0x0  }
0x16: {  	s3 =	sld [smem:$0x3FDB];
	s0 =	simm.s32 @p2 $0x1  }
0x17: {  	s4 =	simm.s32 $0x1BF5;
	[smem:$0x3F8E] =	sst s0  }
0x18: {  	s0 =	sld [smem:$0x3F71];
	_ =	swait.ge [sflag:s4], $0x0  }
0x19: {  	s7 =	sld [smem:$0x3F72]  }
0x1a: {  	s8 =	sadd.s32 $0xFFFFE003, lr  }
0x1b: {  	s9 =	sadd.s32 $0xFFFFFEF7, lr;
	s5 =	simm.s32 $0xFFFFFFFF;
	p2 =	slt.u32 s8, $0xFFFFF086  }
0x1c: {  	p1 =	slt.u32 s9, $0xF7A;
	s5 =	simm.s32 @!p2 $0x0  }
0x1d: {  	s5 =	simm.s32 @p1 $0x1;
	p0 =	seq.s32 s7, s2  }
0x1e: {  	s7 =	smul.u32 @!p0 $0xF7A, s2;
	p2 =	seq.s32 @!p0 s5, $0x0  }
0x1f: {  	s9 =	smul.u32 $0xF7A, s1;
	s8 =	simm.s32 @!p0 $0x1BF5;
	p2 =	por !p2, p0  }
0x20: {  	[sflag:s8] =	ssyncset.s32 @!p0 $0xFFFFF086;
	s6 =	sadd.s32 @!p0 s3, s7;
	s7 =	simm.s32 @!p0 $0x108  }
0x21: {  	s3 =	sadd.s32 s3, s9;
	s6 =	sadd.s32 @!p0 $0x88, s6;
	s7 =	simm.s32 @p2 $0x1082  }
0x22: {  	[simem:s7], [sflag:s8] =	dma.local @!p0 [hbm:s6], $0xF7A  }
0x23: {  	s9 =	sor.u32 $0xD0000000, s2;
	s6 =	simm.s32 $0x108;
	_ =	swait.ge @!p0 [sflag:s8], $0x0  }
0x24: {  	s3 =	sadd.s32 $0x88, s3;
	s6 =	simm.s32 @!p1 $0x1082;
	[sflag:s4] =	ssyncset.s32 $0xFFFFF086  }
0x25: {  	[simem:s6], [sflag:s4] =	dma.local [hbm:s3], $0xF7A  }
0x26: {  	[smem:$0x3F72] =	sst s1;
	(tag) =	ssettag s2;
	_ =	strace s9  }
0x27: {  	s1 =	sld [smem:$0x3F82]  }
0x28: {  	s2 =	sld [smem:$0x3F83]  }
0x29: {  	s4 =	sld [smem:$0x3F85]  }
0x2a: {  	p0 =	seq.s32 s5, $0x0;
	s5 =	sld [smem:$0x3F86]  }
0x2b: {  	s6 =	sld [smem:$0x3F87]  }
0x2c: {  	s7 =	sld [smem:$0x3F88]  }
0x2d: {  	s3 =	simm.s32 $0x108;
	s8 =	sld [smem:$0x3F89]  }
0x2e: {  	s3 =	simm.s32 @!p0 $0x1082;
	s9 =	sld [smem:$0x3F8A]  }
0x2f: {  	lr =	sadd.s32 s0, s3;
	s0 =	sld [smem:$0x3F81]  }
0x30: {  	s3 =	sld [smem:$0x3F84]  }
0x31: {  	[smem:$0x3F8D] =	sst s10  }
0x32: {  	s10 =	sld [smem:$0x3F8B];
	_ =	sdelay $0x3  }
0x33: {  	p0 =	seq.s32 s10, $0x1;
	s10 =	sld [smem:$0x3F8D];
	_ =	sdelay $0x3  }
0x34: {  	[smem:$0x3F8D] =	sst s10  }
0x35: {  	s10 =	sld [smem:$0x3F8C];
	_ =	sdelay $0x3  }
0x36: {  	p1 =	seq.s32 s10, $0x1;
	s10 =	sld [smem:$0x3F8D];
	_ =	sdelay $0x3  }
0x37: {  	[smem:$0x3F8D] =	sst s10  }
0x38: {  	s10 =	sld [smem:$0x3F8E]  }
0x39: {  	_ = 	snop;
	(pc) =	sbr.ind lr, $3  }
0x3a: {  	_ = 	snop  }
0x3b: {  	_ = 	snop  }
0x3c: {  	p2 =	seq.s32 s10, $0x1;
	s10 =	sld [smem:$0x3F8D]  }
0x3d: {  	_ =	shalt  }
0x3e: {  	_ =	shalt  }
0x3f: {  	_ =	shalt  }
0x40: {  	_ =	shalt  }
0x41: {  	_ =	shalt  }
0x42: {  	_ =	shalt  }
0x43: {  	_ =	shalt  }
0x44: {  	_ =	shalt  }
0x45: {  	_ =	shalt  }
0x46: {  	_ =	shalt  }
0x47: {  	_ =	shalt  }
0x48: {  	_ =	shalt  }
0x49: {  	_ =	shalt  }
0x4a: {  	_ =	shalt  }
0x4b: {  	_ =	shalt  }
0x4c: {  	_ =	shalt  }
0x4d: {  	_ =	shalt  }
0x4e: {  	_ =	shalt  }
0x4f: {  	_ =	shalt  }
0x50: {  	_ =	shalt  }
0x51: {  	_ =	shalt  }
0x52: {  	_ =	shalt  }
0x53: {  	_ =	shalt  }
0x54: {  	_ =	shalt  }
0x55: {  	_ =	shalt  }
0x56: {  	_ =	shalt  }
0x57: {  	_ =	shalt  }
0x58: {  	_ =	shalt  }
0x59: {  	_ =	shalt  }
0x5a: {  	_ =	shalt  }
0x5b: {  	_ =	shalt  }
0x5c: {  	_ =	shalt  }
0x5d: {  	_ =	shalt  }
0x5e: {  	_ =	shalt  }
0x5f: {  	_ =	shalt  }
0x60: {  	_ =	shalt  }
0x61: {  	_ =	shalt  }
0x62: {  	_ =	shalt  }
0x63: {  	_ =	shalt  }
0x64: {  	_ =	shalt  }
0x65: {  	_ =	shalt  }
0x66: {  	_ =	shalt  }
0x67: {  	_ =	shalt  }
0x68: {  	_ =	shalt  }
0x69: {  	_ =	shalt  }
0x6a: {  	_ =	shalt  }
0x6b: {  	_ =	shalt  }
0x6c: {  	_ =	shalt  }
0x6d: {  	_ =	shalt  }
0x6e: {  	_ =	shalt  }
0x6f: {  	_ =	shalt  }
0x70: {  	_ =	shalt  }
0x71: {  	_ =	shalt  }
0x72: {  	_ =	shalt  }
0x73: {  	_ =	shalt  }
0x74: {  	_ =	shalt  }
0x75: {  	_ =	shalt  }
0x76: {  	_ =	shalt  }
0x77: {  	_ =	shalt  }
0x78: {  	_ =	shalt  }
0x79: {  	_ =	shalt  }
0x7a: {  	_ =	shalt  }
0x7b: {  	_ =	shalt  }
0x7c: {  	_ =	shalt  }
0x7d: {  	_ =	shalt  }
0x7e: {  	_ =	shalt  }
0x7f: {  	_ =	shalt  }
0x80: {  	_ =	shalt  }
0x81: {  	_ =	shalt  }
0x82: {  	_ =	shalt  }
0x83: {  	_ =	shalt  }
0x84: {  	_ =	shalt  }
0x85: {  	_ =	shalt  }
0x86: {  	_ =	shalt  }
0x87: {  	_ =	shalt  }
.Lfunc_end0:
.L_simem_size_0:
called_computation_lowered:
.L_overlay_start_0:
0x88: {  	s2 =	sld [smem:$0x3FD9]  }
0x89: {  	s3 =	sld [smem:$0x3FFE];
	_ =	sdelay $0x1  }
0x8a: {  	s1 =	srdreg.scid  }
0x8b: {  	s0 =	sand.u32 $0x1, s1  }
0x8c: {  	s17 =	sshll.u32 s0, $0xA;
	s2 =	sadd.s32 s3, s2  }
0x8d: {  	s2 =	sadd.s32 s2, s17  }
0x8e: {  	[smem:$0x3F99] =	sst s2  }
0x8f: {  	_ = 	snop  }
0x90: {  	s2 =	sld [smem:$0x3FC4];
	(tm) =	ssettm $0x1  }
0x91: {  	s18 =	sld [smem:$0x3FFB];
	_ =	sdelay $0x3  }
0x92: {  	_ =	strace s18  }
0x93: {  	s3 =	sld [smem:$0x3FFC];
	_ =	sdelay $0x3  }
0x94: {  	_ =	strace s3  }
0x95: {  	s3 =	sld [smem:$0x3FFD];
	_ =	sdelay $0x3  }
0x96: {  	_ =	strace s3  }
0x97: {  	_ =	strace $0x8FFFFFFF  }
0x98: {  	s19 =	sld [smem:$0x3FDB];
	_ =	sdelay $0x1  }
0x99: {  	s4 =	simm.s32 $_scs_section_size  }
0x9a: {  	s5 =	simm.s32 $_size__tile_overlayer_lowered;
	s6 =	simm.s32 $_tile_overlayer_lowered  }
0x9b: {  	s22 =	simm.s32 $0x1BFF;
	s21 =	sshll.u32 s6, $0x1;
	s3 =	sadd.s32 s4, s19  }
0x9c: {  	s7 =	simm.s32 $0x0;
	s20 =	sshll.u32 s5, $0x1;
	s5 =	sadd.s32 s21, s3  }
0x9d: {  	[timem:s7], [sflag:s22] =	dma.local [hbm:s5], s20  }
0x9e: {  	_ =	swait.ge [sflag:s22], s20  }
0x9f: {  	s4 =	ssub.s32 $0x0, s20;
	[sflag:s22] =	ssyncset.done $0x0  }
0xa0: {  	[sflag:s22] =	ssyncadd.s32 s4;
	_ =	sdelay $0x1  }
0xa1: {  	s23 =	simm.s32 $0x1B8B  }
0xa2: {  	_ =	swait.ge [sflag:s23], $0x1  }
0xa3: {  	[sflag:s23] =	ssyncset.done $0x0  }
0xa4: {  	s25 =	simm.s32 $0x1B8E;
	s24 =	sld [smem:$0x3FFE];
	[sflag:s23] =	ssyncadd.s32 $0xFFFFFFFF  }
0xa5: {  	s26 =	simm.s32 $execute0_lowered;
	[smem:$0x3FD2] =	sst s25  }
0xa6: {  	s5 =	sshll.u32 s26, $0x1;
	_ =	strace $0x80000046;
	[dreg:$0x1] =	wrdreg $0xFFFFFFFF  }
0xa7: {  	s28 =	simm.s32 $_size_execute0_lowered;
	s3 =	sadd.s32 s3, s5;
	[dreg:$0x0] =	wrdreg $0x0  }
0xa8: {  	s5 =	sshll.u32 s28, $0x1;
	[dreg:$0x2] =	wrdreg s3  }
0xa9: {  	[dreg:$0x3] =	wrdreg s5  }
0xaa: {  	[dreg:$0x4] =	wrdreg $0xC0  }
0xab: {  	_ =	task [dreg:s7], $0x5FFFF  }
0xac: {  	[dreg:$0x1] =	wrdreg $0xFFFFFFFF  }
0xad: {  	[dreg:$0x0] =	wrdreg $0x60  }
0xae: {  	[dreg:$0x2] =	wrdreg s24  }
0xaf: {  	[dreg:$0x3] =	wrdreg s2  }
0xb0: {  	[dreg:$0x4] =	wrdreg $0x9  }
0xb1: {  	_ =	task.clear_ibuf [dreg:s7], $0x5FFFF;
	_ =	strace $0x90000046  }
0xb2: {  	s29 =	simm.s32 $0x9;
	_ =	strace $0x80000048  }
0xb3: {  	_ =	swait.ge [sflag:s29], $0x1  }
0xb4: {  	[sflag:s29] =	ssyncadd.s32 $0xFFFFFFFF  }
0xb5: {  	_ =	strace $0x90000048  }
0xb6: {  	_ =	sfence  }
0xb7: {  	s30 =	sld [smem:$0x0];
	_ =	sdelay $0x2  }
0xb8: {  	s31 =	sshll.u32 s1, $0xD;
	s1 =	sshrl.u32 s1, $0x2  }
0xb9: {  	s3 =	sand.u32 $0x4000, s31;
	s1 =	sadd.s32 s1, s30  }
0xba: {  	s0 =	sor.u32 s3, s0;
	s1 =	sshll.u32 s1, $0x11  }
0xbb: {  	s0 =	sor.u32 s1, s0  }
0xbc: {  	s0 =	sadd.s32 $0x8F2B, s0  }
0xbd: {  	[sflag:s0] =	ssyncadd.remote.s32 $0x1  }
0xbe: {  	_ =	sfence.sel $0xFFFF  }
0xbf: {  	[dreg:$0x0] =	wrdreg $0xFFFFFFFF;
	(pc) =	sbr.abs _section_cstart, $3  }
0xc0: {  	[dreg:$0x1] =	wrdreg $0xFFFFFFFF  }
0xc1: {  	_ =	task.clear_ibuf [dreg:s7], $0x2FFFF;
	_ =	strace $0x9FFFFFFF  }
0xc2: {  	(tm) =	ssettm $0x7FFFFFFF  }
0xc3: {  	_ =	shalt  }
tec
execute0_lowered:
.L_overlay_start_1:
0x0: {  	(tag) =	ssettag $0x1  }
0x1: {  	s0 =	srdreg.scid  }
0x2: {  	s2 =	stileid.u32;
	s1 =	rddreg [dreg:$0x0]  }
0x3: {  	s3 =	rddreg [dreg:$0x1];
	s30 =	simm.s32 $0x100;
	s31 =	simm.s32 $0x180  }
0x4: {  	s13 =	simm.s32 $0xC700;
	s12 =	simm.s32 $0x1;
	s29 =	simm.s32 $0x200  }
0x5: {  	s10 =	simm.s32 $0x2;
	s0 =	sand.u32 $0x1, s0;
	s2 =	sshll.u32 s2, $0x1  }
0x6: {  	s28 =	simm.s32 $0x280;
	p0 =	por $0x0, $0x0;
	s4 =	sor.u32 s0, s2  }
0x7: {  	s6 =	sadd.s32 $0x6E200, s1;
	s15 =	sadd.s32 $0x81C00, s1;
	s5 =	smul.u32 $0xD0, s4  }
0x8: {  	s2 =	simm.s32 $0x0;
	s0 =	ssub.s32 $0x2, s0;
	s7 =	smul.u32 $0x34000, s4  }
0x9: {  	[smem:$0x7FF] =	sst s2;
	s8 =	sshll.u32 s4, $0x4;
	s9 =	smul.u32 $0x6800, s4  }
0xa: {  	s4 =	sshll.u32 s4, $0xB;
	s24 =	sshrl.u32 s0, $0x1;
	_ =	strace $0x80000047  }
0xb: {  	[dreg:$0x3] =	wrdreg s6;
	s3 =	sadd.s32 s3, s8;
	s0 =	ssub.s32 s0, s24  }
0xc: {  	s6 =	simm.s32 $0x4700;
	s24 =	simm.s32 $0x400;
	s5 =	sadd.s32 s5, s1  }
0xd: {  	s16 =	sshrl.u32 s7, $0x3;
	[dreg:$0x5] =	wrdreg s3;
	s17 =	sadd.s32 s15, s9  }
0xe: {  	s7 =	sadd.s32 $0x8A00, s1;
	s1 =	sadd.s32 s4, s1;
	s0 =	smax.u32 s0, $0x1  }
0xf: {  	s3 =	simm.s32 $0x5;
	s9 =	simm.s32 $0x700;
	s5 =	sadd.s32 $0x7000, s5  }
0x10: {  	[dreg:$0x6] =	wrdreg s17;
	s4 =	sadd.s32 $0x151C00, s1;
	s17 =	simm.s32 $0x8700  }
0x11: {  	p1 =	sne.s32 s0, $0x1;
	[dreg:$0x4] =	wrdreg s5;
	s5 =	sadd.s32 s15, s16  }
0x12: {  	s1 =	sadd.s32 $0xFFFFFFFF, s0;
	s18 =	sadd.s32 $0x800, s5;
	s0 =	rddreg [dreg:$0x4]  }
0x13: {  	s15 =	simm.s32 $0x680;
	s19 =	sadd.s32 $0x1000, s5;
	[dreg:$0x7] =	wrdreg s18  }
0x14: {  	s16 =	simm.s32 $0x80;
	s20 =	sadd.s32 $0x1800, s5;
	[dreg:$0x8] =	wrdreg s19  }
0x15: {  	s21 =	sadd.s32 $0x2000, s5;
	s22 =	sadd.s32 $0x2800, s5;
	[dreg:$0x9] =	wrdreg s20  }
0x16: {  	s23 =	sadd.s32 $0x3000, s5;
	s25 =	sadd.s32 $0x3800, s5;
	[dreg:$0xa] =	wrdreg s21  }
0x17: {  	s26 =	sadd.s32 $0x4000, s5;
	s14 =	sadd.s32 $0x4800, s5;
	[dreg:$0xb] =	wrdreg s22  }
.Ltmp0:
0x18: {  	s11 =	sadd.s32 $0x5000, s5;
	[dreg:$0xc] =	wrdreg s23;
	(pc) =	sbr.rel @!p1 .LBB2_3-.Ltmp0, $4  }
0x19: {  	s8 =	sadd.s32 $0x5800, s5;
	s5 =	sadd.s32 $0x6000, s5;
	[dreg:$0xd] =	wrdreg s25  }
0x1a: {  	[dreg:$0xe] =	wrdreg s26;
	s19 =	simm.s32 $0x3;
	s26 =	simm.s32 $0x300  }
0x1b: {  	s18 =	simm.s32 $0x4;
	s25 =	simm.s32 $0x380;
	s23 =	simm.s32 $0x480  }
0x1c: {  	s22 =	simm.s32 $0x500;
	s21 =	simm.s32 $0x580;
	s20 =	simm.s32 $0x600  }
0x1d: {  	[tilespmem:s2], [sflag:$0x5] =	stream.linear.gather [hbm4b:s0+s2], $0x680, $0x38;
	[tilespmem:$0x10700] =	vst v63  }
0x1e: {  	_ =	swait.ge [sflag:s3], $0x680  }
0x1f: {  	[sflag:s3] =	ssyncset.done $0x0  }
0x20: {  	s0 =	rddreg [dreg:$0x5];
	[sflag:s3] =	ssyncadd.s32 $0xFFFFF980  }
0x21: {  	[tilespmem:s15], [sflag:$0x5] =	stream.linear.gather [hbm4b:s0+s2], $0x80, $0x38;
	[tilespmem:$0x10700] =	vst v63  }
0x22: {  	_ =	swait.ge [sflag:s3], $0x80  }
0x23: {  	[sflag:s3] =	ssyncset.done $0x0  }
0x24: {  	[sflag:s3] =	ssyncadd.s32 $0xFFFFFF80  }
0x25: {  	[tilespmem:s9], [sflag:$0x1] =	stream.indirect.gather [hbm4b:s7+s16], $0x80, s2, s16, $0xb8;
	[tilespmem:$0x10700] =	vst v63  }
0x26: {  	_ = 	snop  }
0x27: {  	[tilespmem:s6], [sflag:$0x2] =	stream.indirect.gather [hbm4b:s7+s16], $0x80, s16, s16, $0xb8;
	[tilespmem:$0x10700] =	vst v63  }
0x28: {  	_ = 	snop  }
0x29: {  	[tilespmem:s17], [sflag:$0x3] =	stream.indirect.gather [hbm4b:s7+s16], $0x80, s30, s16, $0xb8;
	[tilespmem:$0x10700] =	vst v63  }
0x2a: {  	_ = 	snop  }
0x2b: {  	[tilespmem:s13], [sflag:$0x4] =	stream.indirect.gather [hbm4b:s7+s16], $0x80, s31, s16, $0xb8;
	[tilespmem:$0x10700] =	vst v63  }
0x2c: {  	_ =	swait.ge [sflag:s12], $0x4000  }
0x2d: {  	[sflag:s12] =	ssyncset.done $0x0  }
0x2e: {  	s0 =	rddreg [dreg:$0x6];
	[sflag:s12] =	ssyncadd.s32 $0xFFFFC000  }
0x2f: {  	[hbm4b:s0+s2] =	stream.linear.scatter [tilespmem:s9], [sflag:$0x5], $0x4000, $0x38;
	[tilespmem:$0x10700] =	vst v63  }
0x30: {  	_ =	swait.ge [sflag:s3], $0x4000  }
0x31: {  	[sflag:s3] =	ssyncset.done $0x0  }
0x32: {  	[sflag:s3] =	ssyncadd.s32 $0xFFFFC000  }
0x33: {  	[tilespmem:s9], [sflag:$0x1] =	stream.indirect.gather [hbm4b:s7+s16], $0x80, s29, s16, $0xb8;
	[tilespmem:$0x10700] =	vst v63  }
0x34: {  	_ =	swait.ge [sflag:s10], $0x4000  }
0x35: {  	[sflag:s10] =	ssyncset.done $0x0  }
0x36: {  	s0 =	rddreg [dreg:$0x7];
	[sflag:s10] =	ssyncadd.s32 $0xFFFFC000  }
0x37: {  	[hbm4b:s0+s2] =	stream.linear.scatter [tilespmem:s6], [sflag:$0x5], $0x4000, $0x38;
	[tilespmem:$0x10700] =	vst v63  }
0x38: {  	_ =	swait.ge [sflag:s3], $0x4000  }
0x39: {  	[sflag:s3] =	ssyncset.done $0x0  }
0x3a: {  	[sflag:s3] =	ssyncadd.s32 $0xFFFFC000  }
0x3b: {  	[tilespmem:s6], [sflag:$0x2] =	stream.indirect.gather [hbm4b:s7+s16], $0x80, s28, s16, $0xb8;
	[tilespmem:$0x10700] =	vst v63  }
0x3c: {  	_ =	swait.ge [sflag:s19], $0x4000  }
0x3d: {  	[sflag:s19] =	ssyncset.done $0x0  }
0x3e: {  	s0 =	rddreg [dreg:$0x8];
	[sflag:s19] =	ssyncadd.s32 $0xFFFFC000  }
0x3f: {  	[hbm4b:s0+s2] =	stream.linear.scatter [tilespmem:s17], [sflag:$0x5], $0x4000, $0x38;
	[tilespmem:$0x10700] =	vst v63  }
0x40: {  	_ =	swait.ge [sflag:s3], $0x4000  }
0x41: {  	[sflag:s3] =	ssyncset.done $0x0  }
0x42: {  	[sflag:s3] =	ssyncadd.s32 $0xFFFFC000  }
0x43: {  	[tilespmem:s17], [sflag:$0x3] =	stream.indirect.gather [hbm4b:s7+s16], $0x80, s26, s16, $0xb8;
	[tilespmem:$0x10700] =	vst v63  }
0x44: {  	_ =	swait.ge [sflag:s18], $0x4000  }
0x45: {  	[sflag:s18] =	ssyncset.done $0x0  }
0x46: {  	s0 =	rddreg [dreg:$0x9];
	[sflag:s18] =	ssyncadd.s32 $0xFFFFC000  }
0x47: {  	[hbm4b:s0+s2] =	stream.linear.scatter [tilespmem:s13], [sflag:$0x5], $0x4000, $0x38;
	[tilespmem:$0x10700] =	vst v63  }
0x48: {  	_ =	swait.ge [sflag:s3], $0x4000  }
0x49: {  	[sflag:s3] =	ssyncset.done $0x0  }
0x4a: {  	[sflag:s3] =	ssyncadd.s32 $0xFFFFC000  }
0x4b: {  	[tilespmem:s13], [sflag:$0x4] =	stream.indirect.gather [hbm4b:s7+s16], $0x80, s25, s16, $0xb8;
	[tilespmem:$0x10700] =	vst v63  }
0x4c: {  	_ =	swait.ge [sflag:s12], $0x4000  }
0x4d: {  	[sflag:s12] =	ssyncset.done $0x0  }
0x4e: {  	s0 =	rddreg [dreg:$0xa];
	[sflag:s12] =	ssyncadd.s32 $0xFFFFC000  }
0x4f: {  	[hbm4b:s0+s2] =	stream.linear.scatter [tilespmem:s9], [sflag:$0x5], $0x4000, $0x38;
	[tilespmem:$0x10700] =	vst v63  }
0x50: {  	_ =	swait.ge [sflag:s3], $0x4000  }
0x51: {  	[sflag:s3] =	ssyncset.done $0x0  }
0x52: {  	[sflag:s3] =	ssyncadd.s32 $0xFFFFC000  }
0x53: {  	[tilespmem:s9], [sflag:$0x1] =	stream.indirect.gather [hbm4b:s7+s16], $0x80, s24, s16, $0xb8;
	[tilespmem:$0x10700] =	vst v63  }
0x54: {  	_ =	swait.ge [sflag:s10], $0x4000  }
0x55: {  	[sflag:s10] =	ssyncset.done $0x0  }
0x56: {  	s0 =	rddreg [dreg:$0xb];
	[sflag:s10] =	ssyncadd.s32 $0xFFFFC000  }
0x57: {  	[hbm4b:s0+s2] =	stream.linear.scatter [tilespmem:s6], [sflag:$0x5], $0x4000, $0x38;
	[tilespmem:$0x10700] =	vst v63  }
0x58: {  	_ =	swait.ge [sflag:s3], $0x4000  }
0x59: {  	[sflag:s3] =	ssyncset.done $0x0  }
0x5a: {  	[sflag:s3] =	ssyncadd.s32 $0xFFFFC000  }
0x5b: {  	[tilespmem:s6], [sflag:$0x2] =	stream.indirect.gather [hbm4b:s7+s16], $0x80, s23, s16, $0xb8;
	[tilespmem:$0x10700] =	vst v63  }
0x5c: {  	_ =	swait.ge [sflag:s19], $0x4000  }
0x5d: {  	[sflag:s19] =	ssyncset.done $0x0  }
0x5e: {  	s0 =	rddreg [dreg:$0xc];
	[sflag:s19] =	ssyncadd.s32 $0xFFFFC000  }
0x5f: {  	[hbm4b:s0+s2] =	stream.linear.scatter [tilespmem:s17], [sflag:$0x5], $0x4000, $0x38;
	[tilespmem:$0x10700] =	vst v63  }
0x60: {  	_ =	swait.ge [sflag:s3], $0x4000  }
0x61: {  	[sflag:s3] =	ssyncset.done $0x0  }
0x62: {  	[sflag:s3] =	ssyncadd.s32 $0xFFFFC000  }
0x63: {  	[tilespmem:s17], [sflag:$0x3] =	stream.indirect.gather [hbm4b:s7+s16], $0x80, s22, s16, $0xb8;
	[tilespmem:$0x10700] =	vst v63  }
0x64: {  	_ =	swait.ge [sflag:s18], $0x4000  }
0x65: {  	[sflag:s18] =	ssyncset.done $0x0  }
0x66: {  	s0 =	rddreg [dreg:$0xd];
	[sflag:s18] =	ssyncadd.s32 $0xFFFFC000  }
0x67: {  	[hbm4b:s0+s2] =	stream.linear.scatter [tilespmem:s13], [sflag:$0x5], $0x4000, $0x38;
	[tilespmem:$0x10700] =	vst v63  }
0x68: {  	_ =	swait.ge [sflag:s3], $0x4000  }
0x69: {  	[sflag:s3] =	ssyncset.done $0x0  }
0x6a: {  	[sflag:s3] =	ssyncadd.s32 $0xFFFFC000  }
0x6b: {  	[tilespmem:s13], [sflag:$0x4] =	stream.indirect.gather [hbm4b:s7+s16], $0x80, s21, s16, $0xb8;
	[tilespmem:$0x10700] =	vst v63  }
0x6c: {  	_ =	swait.ge [sflag:s12], $0x4000  }
0x6d: {  	[sflag:s12] =	ssyncset.done $0x0  }
0x6e: {  	s0 =	rddreg [dreg:$0xe];
	[sflag:s12] =	ssyncadd.s32 $0xFFFFC000  }
0x6f: {  	[hbm4b:s0+s2] =	stream.linear.scatter [tilespmem:s9], [sflag:$0x5], $0x4000, $0x38;
	[tilespmem:$0x10700] =	vst v63  }
0x70: {  	_ =	swait.ge [sflag:s3], $0x4000  }
0x71: {  	[sflag:s3] =	ssyncset.done $0x0  }
0x72: {  	[sflag:s3] =	ssyncadd.s32 $0xFFFFC000  }
0x73: {  	[tilespmem:s9], [sflag:$0x1] =	stream.indirect.gather [hbm4b:s7+s16], $0x80, s20, s16, $0xb8;
	[tilespmem:$0x10700] =	vst v63  }
0x74: {  	_ =	swait.ge [sflag:s10], $0x4000  }
0x75: {  	[sflag:s10] =	ssyncset.done $0x0  }
0x76: {  	[sflag:s10] =	ssyncadd.s32 $0xFFFFC000  }
0x77: {  	[hbm4b:s14+s2] =	stream.linear.scatter [tilespmem:s6], [sflag:$0x5], $0x4000, $0x38;
	[tilespmem:$0x10700] =	vst v63  }
0x78: {  	_ =	swait.ge [sflag:s3], $0x4000  }
0x79: {  	[sflag:s3] =	ssyncset.done $0x0  }
0x7a: {  	s0 =	rddreg [dreg:$0x3];
	[sflag:s3] =	ssyncadd.s32 $0xFFFFC000  }
0x7b: {  	[tilespmem:s6], [sflag:$0x2] =	stream.indirect.gather [hbm4b:s0+s16], $0x80, s15, s16, $0xb8;
	[tilespmem:$0x10700] =	vst v63  }
0x7c: {  	_ =	swait.ge [sflag:s19], $0x4000  }
0x7d: {  	[sflag:s19] =	ssyncset.done $0x0  }
0x7e: {  	[sflag:s19] =	ssyncadd.s32 $0xFFFFC000  }
0x7f: {  	[hbm4b:s11+s2] =	stream.linear.scatter [tilespmem:s17], [sflag:$0x5], $0x4000, $0x38;
	[tilespmem:$0x10700] =	vst v63  }
0x80: {  	_ =	swait.ge [sflag:s3], $0x4000  }
0x81: {  	[sflag:s3] =	ssyncset.done $0x0  }
0x82: {  	[sflag:s3] =	ssyncadd.s32 $0xFFFFC000  }
0x83: {  	_ =	swait.ge [sflag:s18], $0x4000  }
0x84: {  	[sflag:s18] =	ssyncset.done $0x0  }
0x85: {  	[sflag:s18] =	ssyncadd.s32 $0xFFFFC000  }
0x86: {  	[hbm4b:s8+s2] =	stream.linear.scatter [tilespmem:s13], [sflag:$0x5], $0x4000, $0x38;
	[tilespmem:$0x10700] =	vst v63  }
0x87: {  	_ =	swait.ge [sflag:s3], $0x4000  }
0x88: {  	[sflag:s3] =	ssyncset.done $0x0  }
0x89: {  	[sflag:s3] =	ssyncadd.s32 $0xFFFFC000  }
0x8a: {  	_ =	swait.ge [sflag:s12], $0x4000  }
0x8b: {  	[sflag:s12] =	ssyncset.done $0x0  }
0x8c: {  	[sflag:s12] =	ssyncadd.s32 $0xFFFFC000  }
0x8d: {  	[hbm4b:s5+s2] =	stream.linear.scatter [tilespmem:s9], [sflag:$0x5], $0x4000, $0x38;
	[tilespmem:$0x10700] =	vst v63  }
0x8e: {  	_ =	swait.ge [sflag:s3], $0x4000  }
0x8f: {  	[sflag:s3] =	ssyncset.done $0x0  }
0x90: {  	[sflag:s3] =	ssyncadd.s32 $0xFFFFC000  }
0x91: {  	p1 =	sne.s32 s1, $0x1;
	_ =	swait.ge [sflag:s10], $0x4000  }
.Ltmp1:
0x92: {  	[sflag:s10] =	ssyncset.done $0x0;
	(pc) =	sbr.rel @!p1 .LBB2_3-.Ltmp1, $4  }
0x93: {  	[sflag:s10] =	ssyncadd.s32 $0xFFFFC000  }
0x94: {  	[hbm4b:s4+s2] =	stream.linear.scatter [tilespmem:s6], [sflag:$0x5], $0x4000, $0x38;
	[tilespmem:$0x10700] =	vst v63  }
0x95: {  	s1 =	sadd.s32 $0xFFFFFFFF, s1;
	_ =	swait.ge [sflag:s3], $0x4000  }
0x96: {  	p0 =	por $0x1, $0x1;
	s0 =	rddreg [dreg:$0x4];
	[sflag:s3] =	ssyncset.done $0x0  }
.LBB2_2:
0x97: {  	[sflag:s3] =	ssyncadd.s32 $0xFFFFC000  }
0x98: {  	[tilespmem:s2], [sflag:$0x5] =	stream.linear.gather [hbm4b:s0+s2], $0x680, $0x38;
	[tilespmem:$0x10700] =	vst v63  }
0x99: {  	_ =	swait.ge [sflag:s3], $0x680  }
0x9a: {  	[sflag:s3] =	ssyncset.done $0x0  }
0x9b: {  	s0 =	rddreg [dreg:$0x5];
	[sflag:s3] =	ssyncadd.s32 $0xFFFFF980  }
0x9c: {  	[tilespmem:s15], [sflag:$0x5] =	stream.linear.gather [hbm4b:s0+s2], $0x80, $0x38;
	[tilespmem:$0x10700] =	vst v63  }
0x9d: {  	_ =	swait.ge [sflag:s3], $0x80  }
0x9e: {  	[sflag:s3] =	ssyncset.done $0x0  }
0x9f: {  	[sflag:s3] =	ssyncadd.s32 $0xFFFFFF80  }
0xa0: {  	[tilespmem:s9], [sflag:$0x1] =	stream.indirect.gather [hbm4b:s7+s16], $0x80, s2, s16, $0xb8;
	[tilespmem:$0x10700] =	vst v63  }
0xa1: {  	_ = 	snop  }
0xa2: {  	[tilespmem:s6], [sflag:$0x2] =	stream.indirect.gather [hbm4b:s7+s16], $0x80, s16, s16, $0xb8;
	[tilespmem:$0x10700] =	vst v63  }
0xa3: {  	_ = 	snop  }
0xa4: {  	[tilespmem:s17], [sflag:$0x3] =	stream.indirect.gather [hbm4b:s7+s16], $0x80, s30, s16, $0xb8;
	[tilespmem:$0x10700] =	vst v63  }
0xa5: {  	_ = 	snop  }
0xa6: {  	[tilespmem:s13], [sflag:$0x4] =	stream.indirect.gather [hbm4b:s7+s16], $0x80, s31, s16, $0xb8;
	[tilespmem:$0x10700] =	vst v63  }
0xa7: {  	_ =	swait.ge [sflag:s12], $0x4000  }
0xa8: {  	[sflag:s12] =	ssyncset.done $0x0  }
0xa9: {  	s0 =	rddreg [dreg:$0x6];
	[sflag:s12] =	ssyncadd.s32 $0xFFFFC000  }
0xaa: {  	[hbm4b:s0+s2] =	stream.linear.scatter [tilespmem:s9], [sflag:$0x5], $0x4000, $0x38;
	[tilespmem:$0x10700] =	vst v63  }
0xab: {  	_ =	swait.ge [sflag:s3], $0x4000  }
0xac: {  	[sflag:s3] =	ssyncset.done $0x0  }
0xad: {  	[sflag:s3] =	ssyncadd.s32 $0xFFFFC000  }
0xae: {  	[tilespmem:s9], [sflag:$0x1] =	stream.indirect.gather [hbm4b:s7+s16], $0x80, s29, s16, $0xb8;
	[tilespmem:$0x10700] =	vst v63  }
0xaf: {  	_ =	swait.ge [sflag:s10], $0x4000  }
0xb0: {  	[sflag:s10] =	ssyncset.done $0x0  }
0xb1: {  	s0 =	rddreg [dreg:$0x7];
	[sflag:s10] =	ssyncadd.s32 $0xFFFFC000  }
0xb2: {  	[hbm4b:s0+s2] =	stream.linear.scatter [tilespmem:s6], [sflag:$0x5], $0x4000, $0x38;
	[tilespmem:$0x10700] =	vst v63  }
0xb3: {  	_ =	swait.ge [sflag:s3], $0x4000  }
0xb4: {  	[sflag:s3] =	ssyncset.done $0x0  }
0xb5: {  	[sflag:s3] =	ssyncadd.s32 $0xFFFFC000  }
0xb6: {  	[tilespmem:s6], [sflag:$0x2] =	stream.indirect.gather [hbm4b:s7+s16], $0x80, s28, s16, $0xb8;
	[tilespmem:$0x10700] =	vst v63  }
0xb7: {  	_ =	swait.ge [sflag:s19], $0x4000  }
0xb8: {  	[sflag:s19] =	ssyncset.done $0x0  }
0xb9: {  	s0 =	rddreg [dreg:$0x8];
	[sflag:s19] =	ssyncadd.s32 $0xFFFFC000  }
0xba: {  	[hbm4b:s0+s2] =	stream.linear.scatter [tilespmem:s17], [sflag:$0x5], $0x4000, $0x38;
	[tilespmem:$0x10700] =	vst v63  }
0xbb: {  	_ =	swait.ge [sflag:s3], $0x4000  }
0xbc: {  	[sflag:s3] =	ssyncset.done $0x0  }
0xbd: {  	[sflag:s3] =	ssyncadd.s32 $0xFFFFC000  }
0xbe: {  	[tilespmem:s17], [sflag:$0x3] =	stream.indirect.gather [hbm4b:s7+s16], $0x80, s26, s16, $0xb8;
	[tilespmem:$0x10700] =	vst v63  }
0xbf: {  	_ =	swait.ge [sflag:s18], $0x4000  }
0xc0: {  	[sflag:s18] =	ssyncset.done $0x0  }
0xc1: {  	s0 =	rddreg [dreg:$0x9];
	[sflag:s18] =	ssyncadd.s32 $0xFFFFC000  }
0xc2: {  	[hbm4b:s0+s2] =	stream.linear.scatter [tilespmem:s13], [sflag:$0x5], $0x4000, $0x38;
	[tilespmem:$0x10700] =	vst v63  }
0xc3: {  	_ =	swait.ge [sflag:s3], $0x4000  }
0xc4: {  	[sflag:s3] =	ssyncset.done $0x0  }
0xc5: {  	[sflag:s3] =	ssyncadd.s32 $0xFFFFC000  }
0xc6: {  	[tilespmem:s13], [sflag:$0x4] =	stream.indirect.gather [hbm4b:s7+s16], $0x80, s25, s16, $0xb8;
	[tilespmem:$0x10700] =	vst v63  }
0xc7: {  	_ =	swait.ge [sflag:s12], $0x4000  }
0xc8: {  	[sflag:s12] =	ssyncset.done $0x0  }
0xc9: {  	s0 =	rddreg [dreg:$0xa];
	[sflag:s12] =	ssyncadd.s32 $0xFFFFC000  }
0xca: {  	[hbm4b:s0+s2] =	stream.linear.scatter [tilespmem:s9], [sflag:$0x5], $0x4000, $0x38;
	[tilespmem:$0x10700] =	vst v63  }
0xcb: {  	_ =	swait.ge [sflag:s3], $0x4000  }
0xcc: {  	[sflag:s3] =	ssyncset.done $0x0  }
0xcd: {  	[sflag:s3] =	ssyncadd.s32 $0xFFFFC000  }
0xce: {  	[tilespmem:s9], [sflag:$0x1] =	stream.indirect.gather [hbm4b:s7+s16], $0x80, s24, s16, $0xb8;
	[tilespmem:$0x10700] =	vst v63  }
0xcf: {  	_ =	swait.ge [sflag:s10], $0x4000  }
0xd0: {  	[sflag:s10] =	ssyncset.done $0x0  }
0xd1: {  	s0 =	rddreg [dreg:$0xb];
	[sflag:s10] =	ssyncadd.s32 $0xFFFFC000  }
0xd2: {  	[hbm4b:s0+s2] =	stream.linear.scatter [tilespmem:s6], [sflag:$0x5], $0x4000, $0x38;
	[tilespmem:$0x10700] =	vst v63  }
0xd3: {  	_ =	swait.ge [sflag:s3], $0x4000  }
0xd4: {  	[sflag:s3] =	ssyncset.done $0x0  }
0xd5: {  	[sflag:s3] =	ssyncadd.s32 $0xFFFFC000  }
0xd6: {  	[tilespmem:s6], [sflag:$0x2] =	stream.indirect.gather [hbm4b:s7+s16], $0x80, s23, s16, $0xb8;
	[tilespmem:$0x10700] =	vst v63  }
0xd7: {  	_ =	swait.ge [sflag:s19], $0x4000  }
0xd8: {  	[sflag:s19] =	ssyncset.done $0x0  }
0xd9: {  	s0 =	rddreg [dreg:$0xc];
	[sflag:s19] =	ssyncadd.s32 $0xFFFFC000  }
0xda: {  	[hbm4b:s0+s2] =	stream.linear.scatter [tilespmem:s17], [sflag:$0x5], $0x4000, $0x38;
	[tilespmem:$0x10700] =	vst v63  }
0xdb: {  	_ =	swait.ge [sflag:s3], $0x4000  }
0xdc: {  	[sflag:s3] =	ssyncset.done $0x0  }
0xdd: {  	[sflag:s3] =	ssyncadd.s32 $0xFFFFC000  }
0xde: {  	[tilespmem:s17], [sflag:$0x3] =	stream.indirect.gather [hbm4b:s7+s16], $0x80, s22, s16, $0xb8;
	[tilespmem:$0x10700] =	vst v63  }
0xdf: {  	_ =	swait.ge [sflag:s18], $0x4000  }
0xe0: {  	[sflag:s18] =	ssyncset.done $0x0  }
0xe1: {  	s0 =	rddreg [dreg:$0xd];
	[sflag:s18] =	ssyncadd.s32 $0xFFFFC000  }
0xe2: {  	[hbm4b:s0+s2] =	stream.linear.scatter [tilespmem:s13], [sflag:$0x5], $0x4000, $0x38;
	[tilespmem:$0x10700] =	vst v63  }
0xe3: {  	_ =	swait.ge [sflag:s3], $0x4000  }
0xe4: {  	[sflag:s3] =	ssyncset.done $0x0  }
0xe5: {  	[sflag:s3] =	ssyncadd.s32 $0xFFFFC000  }
0xe6: {  	[tilespmem:s13], [sflag:$0x4] =	stream.indirect.gather [hbm4b:s7+s16], $0x80, s21, s16, $0xb8;
	[tilespmem:$0x10700] =	vst v63  }
0xe7: {  	_ =	swait.ge [sflag:s12], $0x4000  }
0xe8: {  	[sflag:s12] =	ssyncset.done $0x0  }
0xe9: {  	s0 =	rddreg [dreg:$0xe];
	[sflag:s12] =	ssyncadd.s32 $0xFFFFC000  }
0xea: {  	[hbm4b:s0+s2] =	stream.linear.scatter [tilespmem:s9], [sflag:$0x5], $0x4000, $0x38;
	[tilespmem:$0x10700] =	vst v63  }
0xeb: {  	_ =	swait.ge [sflag:s3], $0x4000  }
0xec: {  	[sflag:s3] =	ssyncset.done $0x0  }
0xed: {  	[sflag:s3] =	ssyncadd.s32 $0xFFFFC000  }
0xee: {  	[tilespmem:s9], [sflag:$0x1] =	stream.indirect.gather [hbm4b:s7+s16], $0x80, s20, s16, $0xb8;
	[tilespmem:$0x10700] =	vst v63  }
0xef: {  	_ =	swait.ge [sflag:s10], $0x4000  }
0xf0: {  	[sflag:s10] =	ssyncset.done $0x0  }
0xf1: {  	[sflag:s10] =	ssyncadd.s32 $0xFFFFC000  }
0xf2: {  	[hbm4b:s14+s2] =	stream.linear.scatter [tilespmem:s6], [sflag:$0x5], $0x4000, $0x38;
	[tilespmem:$0x10700] =	vst v63  }
0xf3: {  	_ =	swait.ge [sflag:s3], $0x4000  }
0xf4: {  	[sflag:s3] =	ssyncset.done $0x0  }
0xf5: {  	s0 =	rddreg [dreg:$0x3];
	[sflag:s3] =	ssyncadd.s32 $0xFFFFC000  }
0xf6: {  	[tilespmem:s6], [sflag:$0x2] =	stream.indirect.gather [hbm4b:s0+s16], $0x80, s15, s16, $0xb8;
	[tilespmem:$0x10700] =	vst v63  }
0xf7: {  	_ =	swait.ge [sflag:s19], $0x4000  }
0xf8: {  	[sflag:s19] =	ssyncset.done $0x0  }
0xf9: {  	[sflag:s19] =	ssyncadd.s32 $0xFFFFC000  }
0xfa: {  	[hbm4b:s11+s2] =	stream.linear.scatter [tilespmem:s17], [sflag:$0x5], $0x4000, $0x38;
	[tilespmem:$0x10700] =	vst v63  }
0xfb: {  	_ =	swait.ge [sflag:s3], $0x4000  }
0xfc: {  	[sflag:s3] =	ssyncset.done $0x0  }
0xfd: {  	[sflag:s3] =	ssyncadd.s32 $0xFFFFC000  }
0xfe: {  	_ =	swait.ge [sflag:s18], $0x4000  }
0xff: {  	[sflag:s18] =	ssyncset.done $0x0  }
0x100: {  	[sflag:s18] =	ssyncadd.s32 $0xFFFFC000  }
0x101: {  	[hbm4b:s8+s2] =	stream.linear.scatter [tilespmem:s13], [sflag:$0x5], $0x4000, $0x38;
	[tilespmem:$0x10700] =	vst v63  }
0x102: {  	_ =	swait.ge [sflag:s3], $0x4000  }
0x103: {  	[sflag:s3] =	ssyncset.done $0x0  }
0x104: {  	[sflag:s3] =	ssyncadd.s32 $0xFFFFC000  }
0x105: {  	_ =	swait.ge [sflag:s12], $0x4000  }
0x106: {  	[sflag:s12] =	ssyncset.done $0x0  }
0x107: {  	[sflag:s12] =	ssyncadd.s32 $0xFFFFC000  }
0x108: {  	[hbm4b:s5+s2] =	stream.linear.scatter [tilespmem:s9], [sflag:$0x5], $0x4000, $0x38;
	[tilespmem:$0x10700] =	vst v63  }
0x109: {  	_ =	swait.ge [sflag:s3], $0x4000  }
0x10a: {  	[sflag:s3] =	ssyncset.done $0x0  }
0x10b: {  	[sflag:s3] =	ssyncadd.s32 $0xFFFFC000  }
0x10c: {  	p1 =	sne.s32 s1, $0x1;
	_ =	swait.ge [sflag:s10], $0x4000  }
.Ltmp2:
0x10d: {  	[sflag:s10] =	ssyncset.done $0x0;
	(pc) =	sbr.rel @p1 .LBB2_2-.Ltmp2, $4  }
0x10e: {  	[sflag:s10] =	ssyncadd.s32 $0xFFFFC000  }
0x10f: {  	[hbm4b:s4+s2] =	stream.linear.scatter [tilespmem:s6], [sflag:$0x5], $0x4000, $0x38;
	[tilespmem:$0x10700] =	vst v63  }
0x110: {  	_ =	swait.ge [sflag:s3], $0x4000  }
0x111: {  	s1 =	sadd.s32 $0xFFFFFFFF, s1;
	s0 =	rddreg [dreg:$0x4];
	[sflag:s3] =	ssyncset.done $0x0  }
.LBB2_3:
0x112: {  	[sflag:s3] =	ssyncadd.s32 @p0 $0xFFFFC000  }
0x113: {  	[tilespmem:s2], [sflag:$0x5] =	stream.linear.gather [hbm4b:s0+s2], $0x680, $0x38;
	[tilespmem:$0x10700] =	vst v63  }
0x114: {  	_ =	swait.ge [sflag:s3], $0x680  }
0x115: {  	[sflag:s3] =	ssyncset.done $0x0  }
0x116: {  	s1 =	rddreg [dreg:$0x5];
	[sflag:s3] =	ssyncadd.s32 $0xFFFFF980  }
0x117: {  	[tilespmem:s15], [sflag:$0x5] =	stream.linear.gather [hbm4b:s1+s2], $0x80, $0x38;
	[tilespmem:$0x10700] =	vst v63  }
0x118: {  	_ =	swait.ge [sflag:s3], $0x80  }
0x119: {  	[sflag:s3] =	ssyncset.done $0x0  }
0x11a: {  	[sflag:s3] =	ssyncadd.s32 $0xFFFFFF80  }
0x11b: {  	[tilespmem:s9], [sflag:$0x1] =	stream.indirect.gather [hbm4b:s7+s16], $0x80, s2, s16, $0xb8;
	[tilespmem:$0x10700] =	vst v63  }
0x11c: {  	_ = 	snop  }
0x11d: {  	[tilespmem:s6], [sflag:$0x2] =	stream.indirect.gather [hbm4b:s7+s16], $0x80, s16, s16, $0xb8;
	[tilespmem:$0x10700] =	vst v63  }
0x11e: {  	_ = 	snop  }
0x11f: {  	[tilespmem:s17], [sflag:$0x3] =	stream.indirect.gather [hbm4b:s7+s16], $0x80, s30, s16, $0xb8;
	[tilespmem:$0x10700] =	vst v63  }
0x120: {  	_ = 	snop  }
0x121: {  	[tilespmem:s13], [sflag:$0x4] =	stream.indirect.gather [hbm4b:s7+s16], $0x80, s31, s16, $0xb8;
	[tilespmem:$0x10700] =	vst v63  }
0x122: {  	_ =	swait.ge [sflag:s12], $0x4000  }
0x123: {  	[sflag:s12] =	ssyncset.done $0x0  }
0x124: {  	s1 =	rddreg [dreg:$0x6];
	[sflag:s12] =	ssyncadd.s32 $0xFFFFC000  }
0x125: {  	[hbm4b:s1+s2] =	stream.linear.scatter [tilespmem:s9], [sflag:$0x5], $0x4000, $0x38;
	[tilespmem:$0x10700] =	vst v63  }
0x126: {  	_ =	swait.ge [sflag:s3], $0x4000  }
0x127: {  	[sflag:s3] =	ssyncset.done $0x0  }
0x128: {  	[sflag:s3] =	ssyncadd.s32 $0xFFFFC000  }
0x129: {  	[tilespmem:s9], [sflag:$0x1] =	stream.indirect.gather [hbm4b:s7+s16], $0x80, s29, s16, $0xb8;
	[tilespmem:$0x10700] =	vst v63  }
0x12a: {  	_ =	swait.ge [sflag:s10], $0x4000  }
0x12b: {  	[sflag:s10] =	ssyncset.done $0x0  }
0x12c: {  	s29 =	rddreg [dreg:$0x7];
	[sflag:s10] =	ssyncadd.s32 $0xFFFFC000  }
0x12d: {  	[hbm4b:s29+s2] =	stream.linear.scatter [tilespmem:s6], [sflag:$0x5], $0x4000, $0x38;
	[tilespmem:$0x10700] =	vst v63  }
0x12e: {  	_ =	swait.ge [sflag:s3], $0x4000  }
0x12f: {  	[sflag:s3] =	ssyncset.done $0x0  }
0x130: {  	[sflag:s3] =	ssyncadd.s32 $0xFFFFC000  }
0x131: {  	[tilespmem:s6], [sflag:$0x2] =	stream.indirect.gather [hbm4b:s7+s16], $0x80, s28, s16, $0xb8;
	[tilespmem:$0x10700] =	vst v63  }
0x132: {  	_ =	swait.ge [sflag:s19], $0x4000  }
0x133: {  	[sflag:s19] =	ssyncset.done $0x0  }
0x134: {  	s30 =	rddreg [dreg:$0x8];
	[sflag:s19] =	ssyncadd.s32 $0xFFFFC000  }
0x135: {  	[hbm4b:s30+s2] =	stream.linear.scatter [tilespmem:s17], [sflag:$0x5], $0x4000, $0x38;
	[tilespmem:$0x10700] =	vst v63  }
0x136: {  	_ =	swait.ge [sflag:s3], $0x4000  }
0x137: {  	[sflag:s3] =	ssyncset.done $0x0  }
0x138: {  	[sflag:s3] =	ssyncadd.s32 $0xFFFFC000  }
0x139: {  	[tilespmem:s17], [sflag:$0x3] =	stream.indirect.gather [hbm4b:s7+s16], $0x80, s26, s16, $0xb8;
	[tilespmem:$0x10700] =	vst v63  }
0x13a: {  	_ =	swait.ge [sflag:s18], $0x4000  }
0x13b: {  	[sflag:s18] =	ssyncset.done $0x0  }
0x13c: {  	s31 =	rddreg [dreg:$0x9];
	[sflag:s18] =	ssyncadd.s32 $0xFFFFC000  }
0x13d: {  	[hbm4b:s31+s2] =	stream.linear.scatter [tilespmem:s13], [sflag:$0x5], $0x4000, $0x38;
	[tilespmem:$0x10700] =	vst v63  }
0x13e: {  	_ =	swait.ge [sflag:s3], $0x4000  }
0x13f: {  	[sflag:s3] =	ssyncset.done $0x0  }
0x140: {  	[sflag:s3] =	ssyncadd.s32 $0xFFFFC000  }
0x141: {  	[tilespmem:s13], [sflag:$0x4] =	stream.indirect.gather [hbm4b:s7+s16], $0x80, s25, s16, $0xb8;
	[tilespmem:$0x10700] =	vst v63  }
0x142: {  	_ =	swait.ge [sflag:s12], $0x4000  }
0x143: {  	[sflag:s12] =	ssyncset.done $0x0  }
0x144: {  	s1 =	rddreg [dreg:$0xa];
	[sflag:s12] =	ssyncadd.s32 $0xFFFFC000  }
0x145: {  	[hbm4b:s1+s2] =	stream.linear.scatter [tilespmem:s9], [sflag:$0x5], $0x4000, $0x38;
	[tilespmem:$0x10700] =	vst v63  }
0x146: {  	_ =	swait.ge [sflag:s3], $0x4000  }
0x147: {  	[sflag:s3] =	ssyncset.done $0x0  }
0x148: {  	[sflag:s3] =	ssyncadd.s32 $0xFFFFC000  }
0x149: {  	[tilespmem:s9], [sflag:$0x1] =	stream.indirect.gather [hbm4b:s7+s16], $0x80, s24, s16, $0xb8;
	[tilespmem:$0x10700] =	vst v63  }
0x14a: {  	_ =	swait.ge [sflag:s10], $0x4000  }
0x14b: {  	[sflag:s10] =	ssyncset.done $0x0  }
0x14c: {  	s25 =	rddreg [dreg:$0xb];
	[sflag:s10] =	ssyncadd.s32 $0xFFFFC000  }
0x14d: {  	[hbm4b:s25+s2] =	stream.linear.scatter [tilespmem:s6], [sflag:$0x5], $0x4000, $0x38;
	[tilespmem:$0x10700] =	vst v63  }
0x14e: {  	_ =	swait.ge [sflag:s3], $0x4000  }
0x14f: {  	[sflag:s3] =	ssyncset.done $0x0  }
0x150: {  	[sflag:s3] =	ssyncadd.s32 $0xFFFFC000  }
0x151: {  	[tilespmem:s6], [sflag:$0x2] =	stream.indirect.gather [hbm4b:s7+s16], $0x80, s23, s16, $0xb8;
	[tilespmem:$0x10700] =	vst v63  }
0x152: {  	_ =	swait.ge [sflag:s19], $0x4000  }
0x153: {  	[sflag:s19] =	ssyncset.done $0x0  }
0x154: {  	s26 =	rddreg [dreg:$0xc];
	[sflag:s19] =	ssyncadd.s32 $0xFFFFC000  }
0x155: {  	[hbm4b:s26+s2] =	stream.linear.scatter [tilespmem:s17], [sflag:$0x5], $0x4000, $0x38;
	[tilespmem:$0x10700] =	vst v63  }
0x156: {  	_ =	swait.ge [sflag:s3], $0x4000  }
0x157: {  	[sflag:s3] =	ssyncset.done $0x0  }
0x158: {  	[sflag:s3] =	ssyncadd.s32 $0xFFFFC000  }
0x159: {  	[tilespmem:s17], [sflag:$0x3] =	stream.indirect.gather [hbm4b:s7+s16], $0x80, s22, s16, $0xb8;
	[tilespmem:$0x10700] =	vst v63  }
0x15a: {  	_ =	swait.ge [sflag:s18], $0x4000  }
0x15b: {  	[sflag:s18] =	ssyncset.done $0x0  }
0x15c: {  	s28 =	rddreg [dreg:$0xd];
	[sflag:s18] =	ssyncadd.s32 $0xFFFFC000  }
0x15d: {  	[hbm4b:s28+s2] =	stream.linear.scatter [tilespmem:s13], [sflag:$0x5], $0x4000, $0x38;
	[tilespmem:$0x10700] =	vst v63  }
0x15e: {  	_ =	swait.ge [sflag:s3], $0x4000  }
0x15f: {  	[sflag:s3] =	ssyncset.done $0x0  }
0x160: {  	[sflag:s3] =	ssyncadd.s32 $0xFFFFC000  }
0x161: {  	[tilespmem:s13], [sflag:$0x4] =	stream.indirect.gather [hbm4b:s7+s16], $0x80, s21, s16, $0xb8;
	[tilespmem:$0x10700] =	vst v63  }
0x162: {  	_ =	swait.ge [sflag:s12], $0x4000  }
0x163: {  	[sflag:s12] =	ssyncset.done $0x0  }
0x164: {  	s29 =	rddreg [dreg:$0xe];
	[sflag:s12] =	ssyncadd.s32 $0xFFFFC000  }
0x165: {  	[hbm4b:s29+s2] =	stream.linear.scatter [tilespmem:s9], [sflag:$0x5], $0x4000, $0x38;
	[tilespmem:$0x10700] =	vst v63  }
0x166: {  	_ =	swait.ge [sflag:s3], $0x4000  }
0x167: {  	[sflag:s3] =	ssyncset.done $0x0  }
0x168: {  	[sflag:s3] =	ssyncadd.s32 $0xFFFFC000  }
0x169: {  	[tilespmem:s9], [sflag:$0x1] =	stream.indirect.gather [hbm4b:s7+s16], $0x80, s20, s16, $0xb8;
	[tilespmem:$0x10700] =	vst v63  }
0x16a: {  	_ =	swait.ge [sflag:s10], $0x4000  }
0x16b: {  	[sflag:s10] =	ssyncset.done $0x0  }
0x16c: {  	[sflag:s10] =	ssyncadd.s32 $0xFFFFC000  }
0x16d: {  	[hbm4b:s14+s2] =	stream.linear.scatter [tilespmem:s6], [sflag:$0x5], $0x4000, $0x38;
	[tilespmem:$0x10700] =	vst v63  }
0x16e: {  	_ =	swait.ge [sflag:s3], $0x4000  }
0x16f: {  	[sflag:s3] =	ssyncset.done $0x0  }
0x170: {  	s30 =	rddreg [dreg:$0x3];
	[sflag:s3] =	ssyncadd.s32 $0xFFFFC000  }
0x171: {  	[tilespmem:s6], [sflag:$0x2] =	stream.indirect.gather [hbm4b:s30+s16], $0x80, s15, s16, $0xb8;
	[tilespmem:$0x10700] =	vst v63  }
0x172: {  	_ =	swait.ge [sflag:s19], $0x4000  }
0x173: {  	[sflag:s19] =	ssyncset.done $0x0  }
0x174: {  	[sflag:s19] =	ssyncadd.s32 $0xFFFFC000  }
0x175: {  	[hbm4b:s11+s2] =	stream.linear.scatter [tilespmem:s17], [sflag:$0x5], $0x4000, $0x38;
	[tilespmem:$0x10700] =	vst v63  }
0x176: {  	_ =	swait.ge [sflag:s3], $0x4000  }
0x177: {  	[sflag:s3] =	ssyncset.done $0x0  }
0x178: {  	[sflag:s3] =	ssyncadd.s32 $0xFFFFC000  }
0x179: {  	_ =	swait.ge [sflag:s18], $0x4000  }
0x17a: {  	[sflag:s18] =	ssyncset.done $0x0  }
0x17b: {  	[sflag:s18] =	ssyncadd.s32 $0xFFFFC000  }
0x17c: {  	[hbm4b:s8+s2] =	stream.linear.scatter [tilespmem:s13], [sflag:$0x5], $0x4000, $0x38;
	[tilespmem:$0x10700] =	vst v63  }
0x17d: {  	_ =	swait.ge [sflag:s3], $0x4000  }
0x17e: {  	[sflag:s3] =	ssyncset.done $0x0  }
0x17f: {  	[sflag:s3] =	ssyncadd.s32 $0xFFFFC000  }
0x180: {  	_ =	swait.ge [sflag:s12], $0x4000  }
0x181: {  	[sflag:s12] =	ssyncset.done $0x0  }
0x182: {  	[sflag:s12] =	ssyncadd.s32 $0xFFFFC000  }
0x183: {  	[hbm4b:s5+s2] =	stream.linear.scatter [tilespmem:s9], [sflag:$0x5], $0x4000, $0x38;
	[tilespmem:$0x10700] =	vst v63  }
0x184: {  	_ =	swait.ge [sflag:s3], $0x4000  }
0x185: {  	[sflag:s3] =	ssyncset.done $0x0  }
0x186: {  	[sflag:s3] =	ssyncadd.s32 $0xFFFFC000  }
0x187: {  	_ =	swait.ge [sflag:s10], $0x4000  }
0x188: {  	[sflag:s10] =	ssyncset.done $0x0  }
0x189: {  	[sflag:s10] =	ssyncadd.s32 $0xFFFFC000  }
0x18a: {  	[hbm4b:s4+s2] =	stream.linear.scatter [tilespmem:s6], [sflag:$0x5], $0x4000, $0x38;
	[tilespmem:$0x10700] =	vst v63  }
0x18b: {  	_ =	swait.ge [sflag:s3], $0x4000  }
0x18c: {  	[sflag:s3] =	ssyncset.done $0x0  }
0x18d: {  	[sflag:s3] =	ssyncadd.s32 $0xFFFFC000  }
0x18e: {  	_ =	sfence.sel $0x180000  }
0x18f: {  	[bflag:$0x0] =	sbarrier.arrive $0xFFFF  }
0x190: {  	_ =	strace $0x90000047  }
0x191: {  	s31 =	stileid.u32;
	[bflag:$0x2] =	sbarrier.arrive $0xFFFF  }
0x192: {  	p0 =	sne.s32 s31, $0x0;
	s0 =	rddreg [dreg:$0x2]  }
0x193: {  	s0 =	sadd.s32 @!p0 $0x100000, s0  }
0x194: {  	[sflag:s0] =	ssyncadd.tile.s32 @!p0 $0x1;
	_ =	shalt  }
.Lfunc_end2:
_tile_overlayer_lowered:
.L_overlay_start_2:
0x195: {  	(tag) =	ssettag $0x2  }
0x196: {  	s0 =	rddreg [dreg:$0x0];
	s2 =	stileid.u32  }
0x197: {  	s1 =	rddreg [dreg:$0x1];
	p0 =	sne.s32 s2, $0x0  }
0x198: {  	s3 =	rddreg [dreg:$0x2];
	[bflag:$0x3] =	sbarrier.arrive $0xFFFF;
	s2 =	simm.s32 @!p0 $0x1C05  }
0x199: {  	[timem:s3], [sflag:s2] =	dma.local @!p0 [hbm:s0], s1  }
0x19a: {  	s0 =	simm.s32 @!p0 $0x5  }
0x19b: {  	_ =	swait.ge @!p0 [sflag:s0], s1  }
0x19c: {  	s1 =	ssub.s32 @!p0 $0x0, s1;
	[sflag:s0] =	ssyncset.done @!p0 $0x0  }
0x19d: {  	[sflag:s0] =	ssyncadd.s32 @!p0 s1  }
0x19e: {  	[bflag:$0x3] =	sbarrier.arrive $0xFFFF  }
0x19f: {  	_ =	shalt  }

</sc_bundles>
